<compile_context>
chip_gen: v7x
topology: tpu7x:2x2x1
jax: 0.10.2.dev20260603
libtpu: 0.0.44.dev20260713+nightly
codegen_flags: <defaults>
</compile_context>

<pallas_src>
import functools

import jax
import jax.numpy as jnp
from jax import lax
from jax.experimental import pallas as pl
from jax.experimental.pallas import tpu as pltpu
from jax.experimental.pallas import tpu_sc as plsc

NB = 128
C = 384
H = W = 28
NROW = H * W * NB
NC, NS, L = 2, 16, 16
NW = NC * NS
RPW = NROW // NW
R = 56
NCHUNK = RPW // R
NJ = C // L


_mesh = plsc.VectorSubcoreMesh(
    core_axis_name="c", subcore_axis_name="s", num_cores=NC, num_subcores=NS
)


@functools.partial(
    pl.kernel,
    mesh=_mesh,
    out_type=jax.ShapeDtypeStruct((NROW, C), jnp.float32),
    scratch_types=[
        pltpu.VMEM((C,), jnp.int32),
        pltpu.VMEM((3 * R, C), jnp.float32),
        pltpu.VMEM((3 * R, C), jnp.float32),
        pltpu.SemaphoreType.DMA,
        pltpu.SemaphoreType.DMA,
    ],
    compiler_params=pltpu.CompilerParams(
        needs_layout_passes=False, disable_bounds_checks=True
    ),
)
def _shuffle(in_hbm, idx_hbm, out_hbm, perm_v, ibuf, obuf, isem, osem):
    wid = lax.axis_index("s") * NC + lax.axis_index("c")
    row0 = wid * RPW

    pltpu.sync_copy(idx_hbm, perm_v)
    pj = [perm_v[pl.ds(j * L, L)] for j in range(NJ)]

    def stream_in(g):
        off = (g % 3) * R
        return pltpu.make_async_copy(
            in_hbm.at[pl.ds(row0 + g * R, R)], ibuf.at[pl.ds(off, R)], isem
        )

    def stream_out(g):
        off = (g % 3) * R
        return pltpu.make_async_copy(
            obuf.at[pl.ds(off, R)], out_hbm.at[pl.ds(row0 + g * R, R)], osem
        )

    stream_in(0).start()
    stream_in(1).start()
    stream_in(2).start()

    def chunk_body(g, carry):
        off = (g % 3) * R
        stream_in(g).wait()

        @pl.when(g >= 3)
        def _drain():
            stream_out(g - 3).wait()

        for j0 in (0, NJ // 2):

            @plsc.parallel_loop(0, R, unroll=4)
            def row_body(r):
                rv = jnp.full((L,), off + r, jnp.int32)
                for j in range(j0, j0 + NJ // 2):
                    v = plsc.load_gather(ibuf, [rv, pj[j]])
                    obuf[off + r, pl.ds(j * L, L)] = v

        stream_out(g).start()

        @pl.when(g + 3 < NCHUNK)
        def _prefetch():
            stream_in(g + 3).start()

        return carry

    lax.fori_loop(0, NCHUNK, chunk_body, 0)
    stream_out(NCHUNK - 3).wait()
    stream_out(NCHUNK - 2).wait()
    stream_out(NCHUNK - 1).wait()


def kernel(input, indices):
    x = jnp.transpose(input, (2, 3, 0, 1)).reshape(NROW, C)
    out = _shuffle(x, indices.astype(jnp.int32))
    return jnp.transpose(out.reshape(H, W, NB, C), (2, 3, 0, 1))

# --- scband reference (transcript-rebuilt; emitter-appended) ---
"""Pipeline reference for scband-channel-shuffle-39840116638137 (READ-ONLY COPY).

The authoritative reference and input builder live on the scoring server;
editing this copy changes nothing except your own understanding.
"""

import jax, jax.numpy as jnp
import numpy as np


def setup_inputs(seed: int = 0) -> dict:
    key = jax.random.key(seed)
    k1, k2 = jax.random.split(key)
    inp = jax.random.normal(k1, (128, 384, 28, 28), dtype=jnp.float32)
    # buffer: random permutation of channel indices (torch.randperm(channels))
    indices = jax.random.permutation(k2, 384)
    return {"input": inp, "indices": indices}


def reference(input, indices):
    # input[:, indices].contiguous() -> gather along channel axis
    return jnp.take(input, indices, axis=1)

if __name__ == "__main__":
    import jax
    _d = setup_inputs()
    print(jax.jit(kernel)(*tuple(_d.values())))

</pallas_src>

<mosaic_0001>
#map = affine_map<(d0, d1) -> (0, 0)>
#map1 = affine_map<(d0, d1) -> (0)>
module attributes {stable_mosaic.version = 14 : i64} {
  func.func @_shuffle(%arg0: i32, %arg1: i32, %arg2: memref<100352x384xf32, #tpu.memory_space<hbm>>, %arg3: memref<384xi32, #tpu.memory_space<hbm>>, %arg4: memref<100352x384xf32, #tpu.memory_space<hbm>>, %arg5: memref<384xi32, #tpu.memory_space<vmem>>, %arg6: memref<168x384xf32, #tpu.memory_space<vmem>>, %arg7: memref<168x384xf32, #tpu.memory_space<vmem>>, %arg8: memref<!tpu.dma_semaphore, #tpu.memory_space<semaphore_mem>>, %arg9: memref<!tpu.dma_semaphore, #tpu.memory_space<semaphore_mem>>) attributes {dimension_semantics = [#tpu.dimension_semantics<core_parallel>, #tpu.dimension_semantics<subcore_parallel>], iteration_bounds = array<i64: 2, 16>, scalar_prefetch = 0 : i64, scratch_operands = 5 : i64, tpu.core_type = #tpu.core_type<sc_vector_subcore>, window_params = [{transform_indices = #map}, {transform_indices = #map1}, {transform_indices = #map}]} {
    %mul3A = arith.constant 2 : i32
    %mul3A_0 = arith.muli %arg1, %mul3A : i32
    %add3A = arith.addi %mul3A_0, %arg0 : i32
    %mul3A_1 = arith.constant 3136 : i32
    %mul3A_2 = arith.muli %add3A, %mul3A_1 : i32
    "tpu.region"() ({
      %run_scoped3A = tpu.sem_alloc : memref<!tpu.dma_semaphore, #tpu.memory_space<semaphore_mem>>
      tpu.enqueue_dma source(%arg3 : memref<384xi32, #tpu.memory_space<hbm>>) target(%arg5 : memref<384xi32, #tpu.memory_space<vmem>>) target_semaphore(%run_scoped3A : memref<!tpu.dma_semaphore, #tpu.memory_space<semaphore_mem>>)
      tpu.wait_dma2 semaphore(%run_scoped3A : memref<!tpu.dma_semaphore, #tpu.memory_space<semaphore_mem>>) src(%arg3 : memref<384xi32, #tpu.memory_space<hbm>>) dst(%arg5 : memref<384xi32, #tpu.memory_space<vmem>>)
      tpu.yield
    }) : () -> ()
    %get3A = arith.constant 0 : index
    %get3A_3 = tpu.vector_load %arg5[%get3A] {strides = array<i32>} : memref<384xi32, #tpu.memory_space<vmem>>, vector<16xi32>,
    %get3A_4 = arith.constant 16 : index
    %get3A_5 = tpu.vector_load %arg5[%get3A_4] {strides = array<i32>} : memref<384xi32, #tpu.memory_space<vmem>>, vector<16xi32>,
    %get3A_6 = arith.constant 32 : index
    %get3A_7 = tpu.vector_load %arg5[%get3A_6] {strides = array<i32>} : memref<384xi32, #tpu.memory_space<vmem>>, vector<16xi32>,
    %get3A_8 = arith.constant 48 : index
    %get3A_9 = tpu.vector_load %arg5[%get3A_8] {strides = array<i32>} : memref<384xi32, #tpu.memory_space<vmem>>, vector<16xi32>,
    %get3A_10 = arith.constant 64 : index
    %get3A_11 = tpu.vector_load %arg5[%get3A_10] {strides = array<i32>} : memref<384xi32, #tpu.memory_space<vmem>>, vector<16xi32>,
    %get3A_12 = arith.constant 80 : index
    %get3A_13 = tpu.vector_load %arg5[%get3A_12] {strides = array<i32>} : memref<384xi32, #tpu.memory_space<vmem>>, vector<16xi32>,
    %get3A_14 = arith.constant 96 : index
    %get3A_15 = tpu.vector_load %arg5[%get3A_14] {strides = array<i32>} : memref<384xi32, #tpu.memory_space<vmem>>, vector<16xi32>,
    %get3A_16 = arith.constant 112 : index
    %get3A_17 = tpu.vector_load %arg5[%get3A_16] {strides = array<i32>} : memref<384xi32, #tpu.memory_space<vmem>>, vector<16xi32>,
    %get3A_18 = arith.constant 128 : index
    %get3A_19 = tpu.vector_load %arg5[%get3A_18] {strides = array<i32>} : memref<384xi32, #tpu.memory_space<vmem>>, vector<16xi32>,
    %get3A_20 = arith.constant 144 : index
    %get3A_21 = tpu.vector_load %arg5[%get3A_20] {strides = array<i32>} : memref<384xi32, #tpu.memory_space<vmem>>, vector<16xi32>,
    %get3A_22 = arith.constant 160 : index
    %get3A_23 = tpu.vector_load %arg5[%get3A_22] {strides = array<i32>} : memref<384xi32, #tpu.memory_space<vmem>>, vector<16xi32>,
    %get3A_24 = arith.constant 176 : index
    %get3A_25 = tpu.vector_load %arg5[%get3A_24] {strides = array<i32>} : memref<384xi32, #tpu.memory_space<vmem>>, vector<16xi32>,
    %get3A_26 = arith.constant 192 : index
    %get3A_27 = tpu.vector_load %arg5[%get3A_26] {strides = array<i32>} : memref<384xi32, #tpu.memory_space<vmem>>, vector<16xi32>,
    %get3A_28 = arith.constant 208 : index
    %get3A_29 = tpu.vector_load %arg5[%get3A_28] {strides = array<i32>} : memref<384xi32, #tpu.memory_space<vmem>>, vector<16xi32>,
    %get3A_30 = arith.constant 224 : index
    %get3A_31 = tpu.vector_load %arg5[%get3A_30] {strides = array<i32>} : memref<384xi32, #tpu.memory_space<vmem>>, vector<16xi32>,
    %get3A_32 = arith.constant 240 : index
    %get3A_33 = tpu.vector_load %arg5[%get3A_32] {strides = array<i32>} : memref<384xi32, #tpu.memory_space<vmem>>, vector<16xi32>,
    %get3A_34 = arith.constant 256 : index
    %get3A_35 = tpu.vector_load %arg5[%get3A_34] {strides = array<i32>} : memref<384xi32, #tpu.memory_space<vmem>>, vector<16xi32>,
    %get3A_36 = arith.constant 272 : index
    %get3A_37 = tpu.vector_load %arg5[%get3A_36] {strides = array<i32>} : memref<384xi32, #tpu.memory_space<vmem>>, vector<16xi32>,
    %get3A_38 = arith.constant 288 : index
    %get3A_39 = tpu.vector_load %arg5[%get3A_38] {strides = array<i32>} : memref<384xi32, #tpu.memory_space<vmem>>, vector<16xi32>,
    %get3A_40 = arith.constant 304 : index
    %get3A_41 = tpu.vector_load %arg5[%get3A_40] {strides = array<i32>} : memref<384xi32, #tpu.memory_space<vmem>>, vector<16xi32>,
    %get3A_42 = arith.constant 320 : index
    %get3A_43 = tpu.vector_load %arg5[%get3A_42] {strides = array<i32>} : memref<384xi32, #tpu.memory_space<vmem>>, vector<16xi32>,
    %get3A_44 = arith.constant 336 : index
    %get3A_45 = tpu.vector_load %arg5[%get3A_44] {strides = array<i32>} : memref<384xi32, #tpu.memory_space<vmem>>, vector<16xi32>,
    %get3A_46 = arith.constant 352 : index
    %get3A_47 = tpu.vector_load %arg5[%get3A_46] {strides = array<i32>} : memref<384xi32, #tpu.memory_space<vmem>>, vector<16xi32>,
    %get3A_48 = arith.constant 368 : index
    %get3A_49 = tpu.vector_load %arg5[%get3A_48] {strides = array<i32>} : memref<384xi32, #tpu.memory_space<vmem>>, vector<16xi32>,
    %add3A_50 = arith.constant 0 : i32
    %add3A_51 = arith.addi %mul3A_2, %add3A_50 : i32
    %dma_start3A = arith.constant 0 : i32
    %dma_start3A_52 = arith.constant 0 : i32
    %dma_start3A_53 = tpu.memref_slice %arg6[%dma_start3A, %dma_start3A_52] : memref<168x384xf32, #tpu.memory_space<vmem>> -> memref<56x384xf32, #tpu.memory_space<vmem>>
    %dma_start3A_54 = arith.constant 0 : i32
    %dma_start3A_55 = tpu.memref_slice %arg2[%add3A_51, %dma_start3A_54] : memref<100352x384xf32, #tpu.memory_space<hbm>> -> memref<56x384xf32, #tpu.memory_space<hbm>>
    %dma_start3A_56 = arith.constant 0 : i32
    %dma_start3A_57 = arith.constant 0 : i32
    %dma_start3A_58 = tpu.memref_slice %arg6[%dma_start3A_56, %dma_start3A_57] : memref<168x384xf32, #tpu.memory_space<vmem>> -> memref<56x384xf32, #tpu.memory_space<vmem>>
    %dma_start3A_59 = arith.constant 0 : i32
    %dma_start3A_60 = tpu.memref_slice %arg2[%add3A_51, %dma_start3A_59] : memref<100352x384xf32, #tpu.memory_space<hbm>> -> memref<56x384xf32, #tpu.memory_space<hbm>>
    tpu.enqueue_dma source(%dma_start3A_60 : memref<56x384xf32, #tpu.memory_space<hbm>>) target(%dma_start3A_58 : memref<56x384xf32, #tpu.memory_space<vmem>>) target_semaphore(%arg8 : memref<!tpu.dma_semaphore, #tpu.memory_space<semaphore_mem>>)
    %add3A_61 = arith.constant 56 : i32
    %add3A_62 = arith.addi %mul3A_2, %add3A_61 : i32
    %dma_start3A_63 = arith.constant 56 : i32
    %dma_start3A_64 = arith.constant 0 : i32
    %dma_start3A_65 = tpu.memref_slice %arg6[%dma_start3A_63, %dma_start3A_64] : memref<168x384xf32, #tpu.memory_space<vmem>> -> memref<56x384xf32, #tpu.memory_space<vmem>>
    %dma_start3A_66 = arith.constant 0 : i32
    %dma_start3A_67 = tpu.memref_slice %arg2[%add3A_62, %dma_start3A_66] : memref<100352x384xf32, #tpu.memory_space<hbm>> -> memref<56x384xf32, #tpu.memory_space<hbm>>
    %dma_start3A_68 = arith.constant 56 : i32
    %dma_start3A_69 = arith.constant 0 : i32
    %dma_start3A_70 = tpu.memref_slice %arg6[%dma_start3A_68, %dma_start3A_69] : memref<168x384xf32, #tpu.memory_space<vmem>> -> memref<56x384xf32, #tpu.memory_space<vmem>>
    %dma_start3A_71 = arith.constant 0 : i32
    %dma_start3A_72 = tpu.memref_slice %arg2[%add3A_62, %dma_start3A_71] : memref<100352x384xf32, #tpu.memory_space<hbm>> -> memref<56x384xf32, #tpu.memory_space<hbm>>
    tpu.enqueue_dma source(%dma_start3A_72 : memref<56x384xf32, #tpu.memory_space<hbm>>) target(%dma_start3A_70 : memref<56x384xf32, #tpu.memory_space<vmem>>) target_semaphore(%arg8 : memref<!tpu.dma_semaphore, #tpu.memory_space<semaphore_mem>>)
    %add3A_73 = arith.constant 112 : i32
    %add3A_74 = arith.addi %mul3A_2, %add3A_73 : i32
    %dma_start3A_75 = arith.constant 112 : i32
    %dma_start3A_76 = arith.constant 0 : i32
    %dma_start3A_77 = tpu.memref_slice %arg6[%dma_start3A_75, %dma_start3A_76] : memref<168x384xf32, #tpu.memory_space<vmem>> -> memref<56x384xf32, #tpu.memory_space<vmem>>
    %dma_start3A_78 = arith.constant 0 : i32
    %dma_start3A_79 = tpu.memref_slice %arg2[%add3A_74, %dma_start3A_78] : memref<100352x384xf32, #tpu.memory_space<hbm>> -> memref<56x384xf32, #tpu.memory_space<hbm>>
    %dma_start3A_80 = arith.constant 112 : i32
    %dma_start3A_81 = arith.constant 0 : i32
    %dma_start3A_82 = tpu.memref_slice %arg6[%dma_start3A_80, %dma_start3A_81] : memref<168x384xf32, #tpu.memory_space<vmem>> -> memref<56x384xf32, #tpu.memory_space<vmem>>
    %dma_start3A_83 = arith.constant 0 : i32
    %dma_start3A_84 = tpu.memref_slice %arg2[%add3A_74, %dma_start3A_83] : memref<100352x384xf32, #tpu.memory_space<hbm>> -> memref<56x384xf32, #tpu.memory_space<hbm>>
    tpu.enqueue_dma source(%dma_start3A_84 : memref<56x384xf32, #tpu.memory_space<hbm>>) target(%dma_start3A_82 : memref<56x384xf32, #tpu.memory_space<vmem>>) target_semaphore(%arg8 : memref<!tpu.dma_semaphore, #tpu.memory_space<semaphore_mem>>)
    %scan3A = arith.constant 0 : i32
    %scan3A_85 = arith.constant 0 : i32
    %scan3A_86 = arith.constant 56 : i32
    %scan3A_87 = arith.addi %scan3A_85, %scan3A_86 : i32
    %scan3A_88 = arith.constant 1 : i32
    scf.for %scan3A_125 = %scan3A_85 to %scan3A_87 step %scan3A_88  : i32 {
      %jit3A = arith.constant 3 : i32
      %eq3A = arith.constant 0 : i32
      %eq3A_126 = arith.cmpi eq, %jit3A, %eq3A : i32
      %jit3A_127 = arith.constant 1 : i32
      %select_n3A = arith.select %eq3A_126, %jit3A_127, %jit3A : i32
      %rem3A = arith.remsi %scan3A_125, %select_n3A : i32
      %ne3A = arith.constant 0 : i32
      %ne3A_128 = arith.cmpi ne, %rem3A, %ne3A : i32
      %lt3A = arith.constant 0 : i32
      %lt3A_129 = arith.cmpi slt, %rem3A, %lt3A : i32
      %lt3A_130 = arith.constant 0 : i32
      %lt3A_131 = arith.cmpi slt, %select_n3A, %lt3A_130 : i32
      %ne3A_132 = arith.xori %lt3A_129, %lt3A_131 : i1
      %and3A = arith.andi %ne3A_132, %ne3A_128 : i1
      %add3A_133 = arith.addi %rem3A, %select_n3A : i32
      %select_n3A_134 = arith.select %and3A, %add3A_133, %rem3A : i32
      %mul3A_135 = arith.constant 56 : i32
      %mul3A_136 = arith.muli %select_n3A_134, %mul3A_135 : i32
      %jit3A_137 = arith.constant 3 : i32
      %eq3A_138 = arith.constant 0 : i32
      %eq3A_139 = arith.cmpi eq, %jit3A_137, %eq3A_138 : i32
      %jit3A_140 = arith.constant 1 : i32
      %select_n3A_141 = arith.select %eq3A_139, %jit3A_140, %jit3A_137 : i32
      %rem3A_142 = arith.remsi %scan3A_125, %select_n3A_141 : i32
      %ne3A_143 = arith.constant 0 : i32
      %ne3A_144 = arith.cmpi ne, %rem3A_142, %ne3A_143 : i32
      %lt3A_145 = arith.constant 0 : i32
      %lt3A_146 = arith.cmpi slt, %rem3A_142, %lt3A_145 : i32
      %lt3A_147 = arith.constant 0 : i32
      %lt3A_148 = arith.cmpi slt, %select_n3A_141, %lt3A_147 : i32
      %ne3A_149 = arith.xori %lt3A_146, %lt3A_148 : i1
      %and3A_150 = arith.andi %ne3A_149, %ne3A_144 : i1
      %add3A_151 = arith.addi %rem3A_142, %select_n3A_141 : i32
      %select_n3A_152 = arith.select %and3A_150, %add3A_151, %rem3A_142 : i32
      %mul3A_153 = arith.constant 56 : i32
      %mul3A_154 = arith.muli %select_n3A_152, %mul3A_153 : i32
      %mul3A_155 = arith.constant 56 : i32
      %mul3A_156 = arith.muli %scan3A_125, %mul3A_155 : i32
      %add3A_157 = arith.addi %mul3A_2, %mul3A_156 : i32
      %dma_wait3A_158 = arith.constant 0 : i32
      %dma_wait3A_159 = tpu.memref_slice %arg6[%mul3A_154, %dma_wait3A_158] : memref<168x384xf32, #tpu.memory_space<vmem>> -> memref<56x384xf32, #tpu.memory_space<vmem>>
      %dma_wait3A_160 = arith.constant 0 : i32
      %dma_wait3A_161 = tpu.memref_slice %arg2[%add3A_157, %dma_wait3A_160] : memref<100352x384xf32, #tpu.memory_space<hbm>> -> memref<56x384xf32, #tpu.memory_space<hbm>>
      %dma_wait3A_162 = arith.constant 0 : i32
      %dma_wait3A_163 = tpu.memref_slice %arg6[%mul3A_154, %dma_wait3A_162] : memref<168x384xf32, #tpu.memory_space<vmem>> -> memref<56x384xf32, #tpu.memory_space<vmem>>
      %dma_wait3A_164 = arith.constant 0 : i32
      %dma_wait3A_165 = tpu.memref_slice %arg2[%add3A_157, %dma_wait3A_164] : memref<100352x384xf32, #tpu.memory_space<hbm>> -> memref<56x384xf32, #tpu.memory_space<hbm>>
      tpu.wait_dma2 semaphore(%arg8 : memref<!tpu.dma_semaphore, #tpu.memory_space<semaphore_mem>>) src(%dma_wait3A_165 : memref<56x384xf32, #tpu.memory_space<hbm>>) dst(%dma_wait3A_163 : memref<56x384xf32, #tpu.memory_space<vmem>>)
      %ge3A = arith.constant 3 : i32
      %ge3A_166 = arith.cmpi sge, %scan3A_125, %ge3A : i32
      %convert_element_type3A = arith.extui %ge3A_166 : i1 to i32
      %cond3A = arith.constant 0 : i32
      %cond3A_167 = arith.cmpi ne, %convert_element_type3A, %cond3A : i32
      scf.if %cond3A_167 {
        %sub3A = arith.constant 3 : i32
        %sub3A_209 = arith.subi %scan3A_125, %sub3A : i32
        %jit3A_210 = arith.constant 3 : i32
        %eq3A_211 = arith.constant 0 : i32
        %eq3A_212 = arith.cmpi eq, %jit3A_210, %eq3A_211 : i32
        %jit3A_213 = arith.constant 1 : i32
        %select_n3A_214 = arith.select %eq3A_212, %jit3A_213, %jit3A_210 : i32
        %rem3A_215 = arith.remsi %sub3A_209, %select_n3A_214 : i32
        %ne3A_216 = arith.constant 0 : i32
        %ne3A_217 = arith.cmpi ne, %rem3A_215, %ne3A_216 : i32
        %lt3A_218 = arith.constant 0 : i32
        %lt3A_219 = arith.cmpi slt, %rem3A_215, %lt3A_218 : i32
        %lt3A_220 = arith.constant 0 : i32
        %lt3A_221 = arith.cmpi slt, %select_n3A_214, %lt3A_220 : i32
        %ne3A_222 = arith.xori %lt3A_219, %lt3A_221 : i1
        %and3A_223 = arith.andi %ne3A_222, %ne3A_217 : i1
        %add3A_224 = arith.addi %rem3A_215, %select_n3A_214 : i32
        %select_n3A_225 = arith.select %and3A_223, %add3A_224, %rem3A_215 : i32
        %mul3A_226 = arith.constant 56 : i32
        %mul3A_227 = arith.muli %select_n3A_225, %mul3A_226 : i32
        %mul3A_228 = arith.constant 56 : i32
        %mul3A_229 = arith.muli %sub3A_209, %mul3A_228 : i32
        %add3A_230 = arith.addi %mul3A_2, %mul3A_229 : i32
        %dma_wait3A_231 = arith.constant 0 : i32
        %dma_wait3A_232 = tpu.memref_slice %arg7[%mul3A_227, %dma_wait3A_231] : memref<168x384xf32, #tpu.memory_space<vmem>> -> memref<56x384xf32, #tpu.memory_space<vmem>>
        %dma_wait3A_233 = arith.constant 0 : i32
        %dma_wait3A_234 = tpu.memref_slice %arg4[%add3A_230, %dma_wait3A_233] : memref<100352x384xf32, #tpu.memory_space<hbm>> -> memref<56x384xf32, #tpu.memory_space<hbm>>
        %dma_wait3A_235 = arith.constant 0 : i32
        %dma_wait3A_236 = tpu.memref_slice %arg4[%add3A_230, %dma_wait3A_235] : memref<100352x384xf32, #tpu.memory_space<hbm>> -> memref<56x384xf32, #tpu.memory_space<hbm>>
        %dma_wait3A_237 = arith.constant 0 : i32
        %dma_wait3A_238 = tpu.memref_slice %arg7[%mul3A_227, %dma_wait3A_237] : memref<168x384xf32, #tpu.memory_space<vmem>> -> memref<56x384xf32, #tpu.memory_space<vmem>>
        tpu.wait_dma2 semaphore(%arg9 : memref<!tpu.dma_semaphore, #tpu.memory_space<semaphore_mem>>) src(%dma_wait3A_238 : memref<56x384xf32, #tpu.memory_space<vmem>>) dst(%dma_wait3A_236 : memref<56x384xf32, #tpu.memory_space<hbm>>)
      } else {
      }
      %parallel_loop3A = arith.constant 0 : i32
      %parallel_loop3A_168 = arith.constant 56 : i32
      %parallel_loop3A_169 = arith.constant 1 : i32
      scf.for %parallel_loop3A_209 = %parallel_loop3A to %parallel_loop3A_168 step %parallel_loop3A_169  : i32 {
        %parallel_loop3A_210 = arith.addi %mul3A_136, %parallel_loop3A_209 : i32
        %parallel_loop3A_211 = vector.broadcast %parallel_loop3A_210 : i32 to vector<16xi32>
        %parallel_loop3A_212 = tpu.vector_load_idx %arg6[%parallel_loop3A_211, %get3A_3] : memref<168x384xf32, #tpu.memory_space<vmem>>[vector<16xi32>, vector<16xi32>], vector<16xf32>,
        %parallel_loop3A_213 = arith.addi %mul3A_136, %parallel_loop3A_209 : i32
        %parallel_loop3A_214 = arith.index_cast %parallel_loop3A_213 : i32 to index
        %parallel_loop3A_215 = arith.constant 0 : index
        %parallel_loop3A_216 = tpu.vector_load %arg7[%parallel_loop3A_214, %parallel_loop3A_215] {strides = array<i32>} : memref<168x384xf32, #tpu.memory_space<vmem>>, vector<16xf32>,
        tpu.vector_store %arg7[%parallel_loop3A_214, %parallel_loop3A_215], %parallel_loop3A_212 {strides = array<i32>} : memref<168x384xf32, #tpu.memory_space<vmem>>, vector<16xf32>,
        %parallel_loop3A_217 = tpu.vector_load_idx %arg6[%parallel_loop3A_211, %get3A_5] : memref<168x384xf32, #tpu.memory_space<vmem>>[vector<16xi32>, vector<16xi32>], vector<16xf32>,
        %parallel_loop3A_218 = arith.addi %mul3A_136, %parallel_loop3A_209 : i32
        %parallel_loop3A_219 = arith.index_cast %parallel_loop3A_218 : i32 to index
        %parallel_loop3A_220 = arith.constant 16 : index
        %parallel_loop3A_221 = tpu.vector_load %arg7[%parallel_loop3A_219, %parallel_loop3A_220] {strides = array<i32>} : memref<168x384xf32, #tpu.memory_space<vmem>>, vector<16xf32>,
        tpu.vector_store %arg7[%parallel_loop3A_219, %parallel_loop3A_220], %parallel_loop3A_217 {strides = array<i32>} : memref<168x384xf32, #tpu.memory_space<vmem>>, vector<16xf32>,
        %parallel_loop3A_222 = tpu.vector_load_idx %arg6[%parallel_loop3A_211, %get3A_7] : memref<168x384xf32, #tpu.memory_space<vmem>>[vector<16xi32>, vector<16xi32>], vector<16xf32>,
        %parallel_loop3A_223 = arith.addi %mul3A_136, %parallel_loop3A_209 : i32
        %parallel_loop3A_224 = arith.index_cast %parallel_loop3A_223 : i32 to index
        %parallel_loop3A_225 = arith.constant 32 : index
        %parallel_loop3A_226 = tpu.vector_load %arg7[%parallel_loop3A_224, %parallel_loop3A_225] {strides = array<i32>} : memref<168x384xf32, #tpu.memory_space<vmem>>, vector<16xf32>,
        tpu.vector_store %arg7[%parallel_loop3A_224, %parallel_loop3A_225], %parallel_loop3A_222 {strides = array<i32>} : memref<168x384xf32, #tpu.memory_space<vmem>>, vector<16xf32>,
        %parallel_loop3A_227 = tpu.vector_load_idx %arg6[%parallel_loop3A_211, %get3A_9] : memref<168x384xf32, #tpu.memory_space<vmem>>[vector<16xi32>, vector<16xi32>], vector<16xf32>,
        %parallel_loop3A_228 = arith.addi %mul3A_136, %parallel_loop3A_209 : i32
        %parallel_loop3A_229 = arith.index_cast %parallel_loop3A_228 : i32 to index
        %parallel_loop3A_230 = arith.constant 48 : index
        %parallel_loop3A_231 = tpu.vector_load %arg7[%parallel_loop3A_229, %parallel_loop3A_230] {strides = array<i32>} : memref<168x384xf32, #tpu.memory_space<vmem>>, vector<16xf32>,
        tpu.vector_store %arg7[%parallel_loop3A_229, %parallel_loop3A_230], %parallel_loop3A_227 {strides = array<i32>} : memref<168x384xf32, #tpu.memory_space<vmem>>, vector<16xf32>,
        %parallel_loop3A_232 = tpu.vector_load_idx %arg6[%parallel_loop3A_211, %get3A_11] : memref<168x384xf32, #tpu.memory_space<vmem>>[vector<16xi32>, vector<16xi32>], vector<16xf32>,
        %parallel_loop3A_233 = arith.addi %mul3A_136, %parallel_loop3A_209 : i32
        %parallel_loop3A_234 = arith.index_cast %parallel_loop3A_233 : i32 to index
        %parallel_loop3A_235 = arith.constant 64 : index
        %parallel_loop3A_236 = tpu.vector_load %arg7[%parallel_loop3A_234, %parallel_loop3A_235] {strides = array<i32>} : memref<168x384xf32, #tpu.memory_space<vmem>>, vector<16xf32>,
        tpu.vector_store %arg7[%parallel_loop3A_234, %parallel_loop3A_235], %parallel_loop3A_232 {strides = array<i32>} : memref<168x384xf32, #tpu.memory_space<vmem>>, vector<16xf32>,
        %parallel_loop3A_237 = tpu.vector_load_idx %arg6[%parallel_loop3A_211, %get3A_13] : memref<168x384xf32, #tpu.memory_space<vmem>>[vector<16xi32>, vector<16xi32>], vector<16xf32>,
        %parallel_loop3A_238 = arith.addi %mul3A_136, %parallel_loop3A_209 : i32
        %parallel_loop3A_239 = arith.index_cast %parallel_loop3A_238 : i32 to index
        %parallel_loop3A_240 = arith.constant 80 : index
        %parallel_loop3A_241 = tpu.vector_load %arg7[%parallel_loop3A_239, %parallel_loop3A_240] {strides = array<i32>} : memref<168x384xf32, #tpu.memory_space<vmem>>, vector<16xf32>,
        tpu.vector_store %arg7[%parallel_loop3A_239, %parallel_loop3A_240], %parallel_loop3A_237 {strides = array<i32>} : memref<168x384xf32, #tpu.memory_space<vmem>>, vector<16xf32>,
        %parallel_loop3A_242 = tpu.vector_load_idx %arg6[%parallel_loop3A_211, %get3A_15] : memref<168x384xf32, #tpu.memory_space<vmem>>[vector<16xi32>, vector<16xi32>], vector<16xf32>,
        %parallel_loop3A_243 = arith.addi %mul3A_136, %parallel_loop3A_209 : i32
        %parallel_loop3A_244 = arith.index_cast %parallel_loop3A_243 : i32 to index
        %parallel_loop3A_245 = arith.constant 96 : index
        %parallel_loop3A_246 = tpu.vector_load %arg7[%parallel_loop3A_244, %parallel_loop3A_245] {strides = array<i32>} : memref<168x384xf32, #tpu.memory_space<vmem>>, vector<16xf32>,
        tpu.vector_store %arg7[%parallel_loop3A_244, %parallel_loop3A_245], %parallel_loop3A_242 {strides = array<i32>} : memref<168x384xf32, #tpu.memory_space<vmem>>, vector<16xf32>,
        %parallel_loop3A_247 = tpu.vector_load_idx %arg6[%parallel_loop3A_211, %get3A_17] : memref<168x384xf32, #tpu.memory_space<vmem>>[vector<16xi32>, vector<16xi32>], vector<16xf32>,
        %parallel_loop3A_248 = arith.addi %mul3A_136, %parallel_loop3A_209 : i32
        %parallel_loop3A_249 = arith.index_cast %parallel_loop3A_248 : i32 to index
        %parallel_loop3A_250 = arith.constant 112 : index
        %parallel_loop3A_251 = tpu.vector_load %arg7[%parallel_loop3A_249, %parallel_loop3A_250] {strides = array<i32>} : memref<168x384xf32, #tpu.memory_space<vmem>>, vector<16xf32>,
        tpu.vector_store %arg7[%parallel_loop3A_249, %parallel_loop3A_250], %parallel_loop3A_247 {strides = array<i32>} : memref<168x384xf32, #tpu.memory_space<vmem>>, vector<16xf32>,
        %parallel_loop3A_252 = tpu.vector_load_idx %arg6[%parallel_loop3A_211, %get3A_19] : memref<168x384xf32, #tpu.memory_space<vmem>>[vector<16xi32>, vector<16xi32>], vector<16xf32>,
        %parallel_loop3A_253 = arith.addi %mul3A_136, %parallel_loop3A_209 : i32
        %parallel_loop3A_254 = arith.index_cast %parallel_loop3A_253 : i32 to index
        %parallel_loop3A_255 = arith.constant 128 : index
        %parallel_loop3A_256 = tpu.vector_load %arg7[%parallel_loop3A_254, %parallel_loop3A_255] {strides = array<i32>} : memref<168x384xf32, #tpu.memory_space<vmem>>, vector<16xf32>,
        tpu.vector_store %arg7[%parallel_loop3A_254, %parallel_loop3A_255], %parallel_loop3A_252 {strides = array<i32>} : memref<168x384xf32, #tpu.memory_space<vmem>>, vector<16xf32>,
        %parallel_loop3A_257 = tpu.vector_load_idx %arg6[%parallel_loop3A_211, %get3A_21] : memref<168x384xf32, #tpu.memory_space<vmem>>[vector<16xi32>, vector<16xi32>], vector<16xf32>,
        %parallel_loop3A_258 = arith.addi %mul3A_136, %parallel_loop3A_209 : i32
        %parallel_loop3A_259 = arith.index_cast %parallel_loop3A_258 : i32 to index
        %parallel_loop3A_260 = arith.constant 144 : index
        %parallel_loop3A_261 = tpu.vector_load %arg7[%parallel_loop3A_259, %parallel_loop3A_260] {strides = array<i32>} : memref<168x384xf32, #tpu.memory_space<vmem>>, vector<16xf32>,
        tpu.vector_store %arg7[%parallel_loop3A_259, %parallel_loop3A_260], %parallel_loop3A_257 {strides = array<i32>} : memref<168x384xf32, #tpu.memory_space<vmem>>, vector<16xf32>,
        %parallel_loop3A_262 = tpu.vector_load_idx %arg6[%parallel_loop3A_211, %get3A_23] : memref<168x384xf32, #tpu.memory_space<vmem>>[vector<16xi32>, vector<16xi32>], vector<16xf32>,
        %parallel_loop3A_263 = arith.addi %mul3A_136, %parallel_loop3A_209 : i32
        %parallel_loop3A_264 = arith.index_cast %parallel_loop3A_263 : i32 to index
        %parallel_loop3A_265 = arith.constant 160 : index
        %parallel_loop3A_266 = tpu.vector_load %arg7[%parallel_loop3A_264, %parallel_loop3A_265] {strides = array<i32>} : memref<168x384xf32, #tpu.memory_space<vmem>>, vector<16xf32>,
        tpu.vector_store %arg7[%parallel_loop3A_264, %parallel_loop3A_265], %parallel_loop3A_262 {strides = array<i32>} : memref<168x384xf32, #tpu.memory_space<vmem>>, vector<16xf32>,
        %parallel_loop3A_267 = tpu.vector_load_idx %arg6[%parallel_loop3A_211, %get3A_25] : memref<168x384xf32, #tpu.memory_space<vmem>>[vector<16xi32>, vector<16xi32>], vector<16xf32>,
        %parallel_loop3A_268 = arith.addi %mul3A_136, %parallel_loop3A_209 : i32
        %parallel_loop3A_269 = arith.index_cast %parallel_loop3A_268 : i32 to index
        %parallel_loop3A_270 = arith.constant 176 : index
        %parallel_loop3A_271 = tpu.vector_load %arg7[%parallel_loop3A_269, %parallel_loop3A_270] {strides = array<i32>} : memref<168x384xf32, #tpu.memory_space<vmem>>, vector<16xf32>,
        tpu.vector_store %arg7[%parallel_loop3A_269, %parallel_loop3A_270], %parallel_loop3A_267 {strides = array<i32>} : memref<168x384xf32, #tpu.memory_space<vmem>>, vector<16xf32>,
      } {sc.loop_unroll_factor = 4 : i64, sc.parallel_access}
      %parallel_loop3A_170 = arith.constant 0 : i32
      %parallel_loop3A_171 = arith.constant 56 : i32
      %parallel_loop3A_172 = arith.constant 1 : i32
      scf.for %parallel_loop3A_209 = %parallel_loop3A_170 to %parallel_loop3A_171 step %parallel_loop3A_172  : i32 {
        %parallel_loop3A_210 = arith.addi %mul3A_136, %parallel_loop3A_209 : i32
        %parallel_loop3A_211 = vector.broadcast %parallel_loop3A_210 : i32 to vector<16xi32>
        %parallel_loop3A_212 = tpu.vector_load_idx %arg6[%parallel_loop3A_211, %get3A_27] : memref<168x384xf32, #tpu.memory_space<vmem>>[vector<16xi32>, vector<16xi32>], vector<16xf32>,
        %parallel_loop3A_213 = arith.addi %mul3A_136, %parallel_loop3A_209 : i32
        %parallel_loop3A_214 = arith.index_cast %parallel_loop3A_213 : i32 to index
        %parallel_loop3A_215 = arith.constant 192 : index
        %parallel_loop3A_216 = tpu.vector_load %arg7[%parallel_loop3A_214, %parallel_loop3A_215] {strides = array<i32>} : memref<168x384xf32, #tpu.memory_space<vmem>>, vector<16xf32>,
        tpu.vector_store %arg7[%parallel_loop3A_214, %parallel_loop3A_215], %parallel_loop3A_212 {strides = array<i32>} : memref<168x384xf32, #tpu.memory_space<vmem>>, vector<16xf32>,
        %parallel_loop3A_217 = tpu.vector_load_idx %arg6[%parallel_loop3A_211, %get3A_29] : memref<168x384xf32, #tpu.memory_space<vmem>>[vector<16xi32>, vector<16xi32>], vector<16xf32>,
        %parallel_loop3A_218 = arith.addi %mul3A_136, %parallel_loop3A_209 : i32
        %parallel_loop3A_219 = arith.index_cast %parallel_loop3A_218 : i32 to index
        %parallel_loop3A_220 = arith.constant 208 : index
        %parallel_loop3A_221 = tpu.vector_load %arg7[%parallel_loop3A_219, %parallel_loop3A_220] {strides = array<i32>} : memref<168x384xf32, #tpu.memory_space<vmem>>, vector<16xf32>,
        tpu.vector_store %arg7[%parallel_loop3A_219, %parallel_loop3A_220], %parallel_loop3A_217 {strides = array<i32>} : memref<168x384xf32, #tpu.memory_space<vmem>>, vector<16xf32>,
        %parallel_loop3A_222 = tpu.vector_load_idx %arg6[%parallel_loop3A_211, %get3A_31] : memref<168x384xf32, #tpu.memory_space<vmem>>[vector<16xi32>, vector<16xi32>], vector<16xf32>,
        %parallel_loop3A_223 = arith.addi %mul3A_136, %parallel_loop3A_209 : i32
        %parallel_loop3A_224 = arith.index_cast %parallel_loop3A_223 : i32 to index
        %parallel_loop3A_225 = arith.constant 224 : index
        %parallel_loop3A_226 = tpu.vector_load %arg7[%parallel_loop3A_224, %parallel_loop3A_225] {strides = array<i32>} : memref<168x384xf32, #tpu.memory_space<vmem>>, vector<16xf32>,
        tpu.vector_store %arg7[%parallel_loop3A_224, %parallel_loop3A_225], %parallel_loop3A_222 {strides = array<i32>} : memref<168x384xf32, #tpu.memory_space<vmem>>, vector<16xf32>,
        %parallel_loop3A_227 = tpu.vector_load_idx %arg6[%parallel_loop3A_211, %get3A_33] : memref<168x384xf32, #tpu.memory_space<vmem>>[vector<16xi32>, vector<16xi32>], vector<16xf32>,
        %parallel_loop3A_228 = arith.addi %mul3A_136, %parallel_loop3A_209 : i32
        %parallel_loop3A_229 = arith.index_cast %parallel_loop3A_228 : i32 to index
        %parallel_loop3A_230 = arith.constant 240 : index
        %parallel_loop3A_231 = tpu.vector_load %arg7[%parallel_loop3A_229, %parallel_loop3A_230] {strides = array<i32>} : memref<168x384xf32, #tpu.memory_space<vmem>>, vector<16xf32>,
        tpu.vector_store %arg7[%parallel_loop3A_229, %parallel_loop3A_230], %parallel_loop3A_227 {strides = array<i32>} : memref<168x384xf32, #tpu.memory_space<vmem>>, vector<16xf32>,
        %parallel_loop3A_232 = tpu.vector_load_idx %arg6[%parallel_loop3A_211, %get3A_35] : memref<168x384xf32, #tpu.memory_space<vmem>>[vector<16xi32>, vector<16xi32>], vector<16xf32>,
        %parallel_loop3A_233 = arith.addi %mul3A_136, %parallel_loop3A_209 : i32
        %parallel_loop3A_234 = arith.index_cast %parallel_loop3A_233 : i32 to index
        %parallel_loop3A_235 = arith.constant 256 : index
        %parallel_loop3A_236 = tpu.vector_load %arg7[%parallel_loop3A_234, %parallel_loop3A_235] {strides = array<i32>} : memref<168x384xf32, #tpu.memory_space<vmem>>, vector<16xf32>,
        tpu.vector_store %arg7[%parallel_loop3A_234, %parallel_loop3A_235], %parallel_loop3A_232 {strides = array<i32>} : memref<168x384xf32, #tpu.memory_space<vmem>>, vector<16xf32>,
        %parallel_loop3A_237 = tpu.vector_load_idx %arg6[%parallel_loop3A_211, %get3A_37] : memref<168x384xf32, #tpu.memory_space<vmem>>[vector<16xi32>, vector<16xi32>], vector<16xf32>,
        %parallel_loop3A_238 = arith.addi %mul3A_136, %parallel_loop3A_209 : i32
        %parallel_loop3A_239 = arith.index_cast %parallel_loop3A_238 : i32 to index
        %parallel_loop3A_240 = arith.constant 272 : index
        %parallel_loop3A_241 = tpu.vector_load %arg7[%parallel_loop3A_239, %parallel_loop3A_240] {strides = array<i32>} : memref<168x384xf32, #tpu.memory_space<vmem>>, vector<16xf32>,
        tpu.vector_store %arg7[%parallel_loop3A_239, %parallel_loop3A_240], %parallel_loop3A_237 {strides = array<i32>} : memref<168x384xf32, #tpu.memory_space<vmem>>, vector<16xf32>,
        %parallel_loop3A_242 = tpu.vector_load_idx %arg6[%parallel_loop3A_211, %get3A_39] : memref<168x384xf32, #tpu.memory_space<vmem>>[vector<16xi32>, vector<16xi32>], vector<16xf32>,
        %parallel_loop3A_243 = arith.addi %mul3A_136, %parallel_loop3A_209 : i32
        %parallel_loop3A_244 = arith.index_cast %parallel_loop3A_243 : i32 to index
        %parallel_loop3A_245 = arith.constant 288 : index
        %parallel_loop3A_246 = tpu.vector_load %arg7[%parallel_loop3A_244, %parallel_loop3A_245] {strides = array<i32>} : memref<168x384xf32, #tpu.memory_space<vmem>>, vector<16xf32>,
        tpu.vector_store %arg7[%parallel_loop3A_244, %parallel_loop3A_245], %parallel_loop3A_242 {strides = array<i32>} : memref<168x384xf32, #tpu.memory_space<vmem>>, vector<16xf32>,
        %parallel_loop3A_247 = tpu.vector_load_idx %arg6[%parallel_loop3A_211, %get3A_41] : memref<168x384xf32, #tpu.memory_space<vmem>>[vector<16xi32>, vector<16xi32>], vector<16xf32>,
        %parallel_loop3A_248 = arith.addi %mul3A_136, %parallel_loop3A_209 : i32
        %parallel_loop3A_249 = arith.index_cast %parallel_loop3A_248 : i32 to index
        %parallel_loop3A_250 = arith.constant 304 : index
        %parallel_loop3A_251 = tpu.vector_load %arg7[%parallel_loop3A_249, %parallel_loop3A_250] {strides = array<i32>} : memref<168x384xf32, #tpu.memory_space<vmem>>, vector<16xf32>,
        tpu.vector_store %arg7[%parallel_loop3A_249, %parallel_loop3A_250], %parallel_loop3A_247 {strides = array<i32>} : memref<168x384xf32, #tpu.memory_space<vmem>>, vector<16xf32>,
        %parallel_loop3A_252 = tpu.vector_load_idx %arg6[%parallel_loop3A_211, %get3A_43] : memref<168x384xf32, #tpu.memory_space<vmem>>[vector<16xi32>, vector<16xi32>], vector<16xf32>,
        %parallel_loop3A_253 = arith.addi %mul3A_136, %parallel_loop3A_209 : i32
        %parallel_loop3A_254 = arith.index_cast %parallel_loop3A_253 : i32 to index
        %parallel_loop3A_255 = arith.constant 320 : index
        %parallel_loop3A_256 = tpu.vector_load %arg7[%parallel_loop3A_254, %parallel_loop3A_255] {strides = array<i32>} : memref<168x384xf32, #tpu.memory_space<vmem>>, vector<16xf32>,
        tpu.vector_store %arg7[%parallel_loop3A_254, %parallel_loop3A_255], %parallel_loop3A_252 {strides = array<i32>} : memref<168x384xf32, #tpu.memory_space<vmem>>, vector<16xf32>,
        %parallel_loop3A_257 = tpu.vector_load_idx %arg6[%parallel_loop3A_211, %get3A_45] : memref<168x384xf32, #tpu.memory_space<vmem>>[vector<16xi32>, vector<16xi32>], vector<16xf32>,
        %parallel_loop3A_258 = arith.addi %mul3A_136, %parallel_loop3A_209 : i32
        %parallel_loop3A_259 = arith.index_cast %parallel_loop3A_258 : i32 to index
        %parallel_loop3A_260 = arith.constant 336 : index
        %parallel_loop3A_261 = tpu.vector_load %arg7[%parallel_loop3A_259, %parallel_loop3A_260] {strides = array<i32>} : memref<168x384xf32, #tpu.memory_space<vmem>>, vector<16xf32>,
        tpu.vector_store %arg7[%parallel_loop3A_259, %parallel_loop3A_260], %parallel_loop3A_257 {strides = array<i32>} : memref<168x384xf32, #tpu.memory_space<vmem>>, vector<16xf32>,
        %parallel_loop3A_262 = tpu.vector_load_idx %arg6[%parallel_loop3A_211, %get3A_47] : memref<168x384xf32, #tpu.memory_space<vmem>>[vector<16xi32>, vector<16xi32>], vector<16xf32>,
        %parallel_loop3A_263 = arith.addi %mul3A_136, %parallel_loop3A_209 : i32
        %parallel_loop3A_264 = arith.index_cast %parallel_loop3A_263 : i32 to index
        %parallel_loop3A_265 = arith.constant 352 : index
        %parallel_loop3A_266 = tpu.vector_load %arg7[%parallel_loop3A_264, %parallel_loop3A_265] {strides = array<i32>} : memref<168x384xf32, #tpu.memory_space<vmem>>, vector<16xf32>,
        tpu.vector_store %arg7[%parallel_loop3A_264, %parallel_loop3A_265], %parallel_loop3A_262 {strides = array<i32>} : memref<168x384xf32, #tpu.memory_space<vmem>>, vector<16xf32>,
        %parallel_loop3A_267 = tpu.vector_load_idx %arg6[%parallel_loop3A_211, %get3A_49] : memref<168x384xf32, #tpu.memory_space<vmem>>[vector<16xi32>, vector<16xi32>], vector<16xf32>,
        %parallel_loop3A_268 = arith.addi %mul3A_136, %parallel_loop3A_209 : i32
        %parallel_loop3A_269 = arith.index_cast %parallel_loop3A_268 : i32 to index
        %parallel_loop3A_270 = arith.constant 368 : index
        %parallel_loop3A_271 = tpu.vector_load %arg7[%parallel_loop3A_269, %parallel_loop3A_270] {strides = array<i32>} : memref<168x384xf32, #tpu.memory_space<vmem>>, vector<16xf32>,
        tpu.vector_store %arg7[%parallel_loop3A_269, %parallel_loop3A_270], %parallel_loop3A_267 {strides = array<i32>} : memref<168x384xf32, #tpu.memory_space<vmem>>, vector<16xf32>,
      } {sc.loop_unroll_factor = 4 : i64, sc.parallel_access}
      %jit3A_173 = arith.constant 3 : i32
      %eq3A_174 = arith.constant 0 : i32
      %eq3A_175 = arith.cmpi eq, %jit3A_173, %eq3A_174 : i32
      %jit3A_176 = arith.constant 1 : i32
      %select_n3A_177 = arith.select %eq3A_175, %jit3A_176, %jit3A_173 : i32
      %rem3A_178 = arith.remsi %scan3A_125, %select_n3A_177 : i32
      %ne3A_179 = arith.constant 0 : i32
      %ne3A_180 = arith.cmpi ne, %rem3A_178, %ne3A_179 : i32
      %lt3A_181 = arith.constant 0 : i32
      %lt3A_182 = arith.cmpi slt, %rem3A_178, %lt3A_181 : i32
      %lt3A_183 = arith.constant 0 : i32
      %lt3A_184 = arith.cmpi slt, %select_n3A_177, %lt3A_183 : i32
      %ne3A_185 = arith.xori %lt3A_182, %lt3A_184 : i1
      %and3A_186 = arith.andi %ne3A_185, %ne3A_180 : i1
      %add3A_187 = arith.addi %rem3A_178, %select_n3A_177 : i32
      %select_n3A_188 = arith.select %and3A_186, %add3A_187, %rem3A_178 : i32
      %mul3A_189 = arith.constant 56 : i32
      %mul3A_190 = arith.muli %select_n3A_188, %mul3A_189 : i32
      %mul3A_191 = arith.constant 56 : i32
      %mul3A_192 = arith.muli %scan3A_125, %mul3A_191 : i32
      %add3A_193 = arith.addi %mul3A_2, %mul3A_192 : i32
      %dma_start3A_194 = arith.constant 0 : i32
      %dma_start3A_195 = tpu.memref_slice %arg7[%mul3A_190, %dma_start3A_194] : memref<168x384xf32, #tpu.memory_space<vmem>> -> memref<56x384xf32, #tpu.memory_space<vmem>>
      %dma_start3A_196 = arith.constant 0 : i32
      %dma_start3A_197 = tpu.memref_slice %arg4[%add3A_193, %dma_start3A_196] : memref<100352x384xf32, #tpu.memory_space<hbm>> -> memref<56x384xf32, #tpu.memory_space<hbm>>
      %dma_start3A_198 = arith.constant 0 : i32
      %dma_start3A_199 = tpu.memref_slice %arg4[%add3A_193, %dma_start3A_198] : memref<100352x384xf32, #tpu.memory_space<hbm>> -> memref<56x384xf32, #tpu.memory_space<hbm>>
      %dma_start3A_200 = arith.constant 0 : i32
      %dma_start3A_201 = tpu.memref_slice %arg7[%mul3A_190, %dma_start3A_200] : memref<168x384xf32, #tpu.memory_space<vmem>> -> memref<56x384xf32, #tpu.memory_space<vmem>>
      tpu.enqueue_dma source(%dma_start3A_201 : memref<56x384xf32, #tpu.memory_space<vmem>>) target(%dma_start3A_199 : memref<56x384xf32, #tpu.memory_space<hbm>>) target_semaphore(%arg9 : memref<!tpu.dma_semaphore, #tpu.memory_space<semaphore_mem>>)
      %add3A_202 = arith.constant 3 : i32
      %add3A_203 = arith.addi %scan3A_125, %add3A_202 : i32
      %lt3A_204 = arith.constant 56 : i32
      %lt3A_205 = arith.cmpi slt, %add3A_203, %lt3A_204 : i32
      %convert_element_type3A_206 = arith.extui %lt3A_205 : i1 to i32
      %cond3A_207 = arith.constant 0 : i32
      %cond3A_208 = arith.cmpi ne, %convert_element_type3A_206, %cond3A_207 : i32
      scf.if %cond3A_208 {
        %add3A_209 = arith.constant 3 : i32
        %add3A_210 = arith.addi %scan3A_125, %add3A_209 : i32
        %jit3A_211 = arith.constant 3 : i32
        %eq3A_212 = arith.constant 0 : i32
        %eq3A_213 = arith.cmpi eq, %jit3A_211, %eq3A_212 : i32
        %jit3A_214 = arith.constant 1 : i32
        %select_n3A_215 = arith.select %eq3A_213, %jit3A_214, %jit3A_211 : i32
        %rem3A_216 = arith.remsi %add3A_210, %select_n3A_215 : i32
        %ne3A_217 = arith.constant 0 : i32
        %ne3A_218 = arith.cmpi ne, %rem3A_216, %ne3A_217 : i32
        %lt3A_219 = arith.constant 0 : i32
        %lt3A_220 = arith.cmpi slt, %rem3A_216, %lt3A_219 : i32
        %lt3A_221 = arith.constant 0 : i32
        %lt3A_222 = arith.cmpi slt, %select_n3A_215, %lt3A_221 : i32
        %ne3A_223 = arith.xori %lt3A_220, %lt3A_222 : i1
        %and3A_224 = arith.andi %ne3A_223, %ne3A_218 : i1
        %add3A_225 = arith.addi %rem3A_216, %select_n3A_215 : i32
        %select_n3A_226 = arith.select %and3A_224, %add3A_225, %rem3A_216 : i32
        %mul3A_227 = arith.constant 56 : i32
        %mul3A_228 = arith.muli %select_n3A_226, %mul3A_227 : i32
        %mul3A_229 = arith.constant 56 : i32
        %mul3A_230 = arith.muli %add3A_210, %mul3A_229 : i32
        %add3A_231 = arith.addi %mul3A_2, %mul3A_230 : i32
        %dma_start3A_232 = arith.constant 0 : i32
        %dma_start3A_233 = tpu.memref_slice %arg6[%mul3A_228, %dma_start3A_232] : memref<168x384xf32, #tpu.memory_space<vmem>> -> memref<56x384xf32, #tpu.memory_space<vmem>>
        %dma_start3A_234 = arith.constant 0 : i32
        %dma_start3A_235 = tpu.memref_slice %arg2[%add3A_231, %dma_start3A_234] : memref<100352x384xf32, #tpu.memory_space<hbm>> -> memref<56x384xf32, #tpu.memory_space<hbm>>
        %dma_start3A_236 = arith.constant 0 : i32
        %dma_start3A_237 = tpu.memref_slice %arg6[%mul3A_228, %dma_start3A_236] : memref<168x384xf32, #tpu.memory_space<vmem>> -> memref<56x384xf32, #tpu.memory_space<vmem>>
        %dma_start3A_238 = arith.constant 0 : i32
        %dma_start3A_239 = tpu.memref_slice %arg2[%add3A_231, %dma_start3A_238] : memref<100352x384xf32, #tpu.memory_space<hbm>> -> memref<56x384xf32, #tpu.memory_space<hbm>>
        tpu.enqueue_dma source(%dma_start3A_239 : memref<56x384xf32, #tpu.memory_space<hbm>>) target(%dma_start3A_237 : memref<56x384xf32, #tpu.memory_space<vmem>>) target_semaphore(%arg8 : memref<!tpu.dma_semaphore, #tpu.memory_space<semaphore_mem>>)
      } else {
      }
    }
    %scan3A_89 = arith.constant 56 : i32
    %add3A_90 = arith.constant 2968 : i32
    %add3A_91 = arith.addi %mul3A_2, %add3A_90 : i32
    %dma_wait3A = arith.constant 112 : i32
    %dma_wait3A_92 = arith.constant 0 : i32
    %dma_wait3A_93 = tpu.memref_slice %arg7[%dma_wait3A, %dma_wait3A_92] : memref<168x384xf32, #tpu.memory_space<vmem>> -> memref<56x384xf32, #tpu.memory_space<vmem>>
    %dma_wait3A_94 = arith.constant 0 : i32
    %dma_wait3A_95 = tpu.memref_slice %arg4[%add3A_91, %dma_wait3A_94] : memref<100352x384xf32, #tpu.memory_space<hbm>> -> memref<56x384xf32, #tpu.memory_space<hbm>>
    %dma_wait3A_96 = arith.constant 0 : i32
    %dma_wait3A_97 = tpu.memref_slice %arg4[%add3A_91, %dma_wait3A_96] : memref<100352x384xf32, #tpu.memory_space<hbm>> -> memref<56x384xf32, #tpu.memory_space<hbm>>
    %dma_wait3A_98 = arith.constant 112 : i32
    %dma_wait3A_99 = arith.constant 0 : i32
    %dma_wait3A_100 = tpu.memref_slice %arg7[%dma_wait3A_98, %dma_wait3A_99] : memref<168x384xf32, #tpu.memory_space<vmem>> -> memref<56x384xf32, #tpu.memory_space<vmem>>
    tpu.wait_dma2 semaphore(%arg9 : memref<!tpu.dma_semaphore, #tpu.memory_space<semaphore_mem>>) src(%dma_wait3A_100 : memref<56x384xf32, #tpu.memory_space<vmem>>) dst(%dma_wait3A_97 : memref<56x384xf32, #tpu.memory_space<hbm>>)
    %add3A_101 = arith.constant 3024 : i32
    %add3A_102 = arith.addi %mul3A_2, %add3A_101 : i32
    %dma_wait3A_103 = arith.constant 0 : i32
    %dma_wait3A_104 = arith.constant 0 : i32
    %dma_wait3A_105 = tpu.memref_slice %arg7[%dma_wait3A_103, %dma_wait3A_104] : memref<168x384xf32, #tpu.memory_space<vmem>> -> memref<56x384xf32, #tpu.memory_space<vmem>>
    %dma_wait3A_106 = arith.constant 0 : i32
    %dma_wait3A_107 = tpu.memref_slice %arg4[%add3A_102, %dma_wait3A_106] : memref<100352x384xf32, #tpu.memory_space<hbm>> -> memref<56x384xf32, #tpu.memory_space<hbm>>
    %dma_wait3A_108 = arith.constant 0 : i32
    %dma_wait3A_109 = tpu.memref_slice %arg4[%add3A_102, %dma_wait3A_108] : memref<100352x384xf32, #tpu.memory_space<hbm>> -> memref<56x384xf32, #tpu.memory_space<hbm>>
    %dma_wait3A_110 = arith.constant 0 : i32
    %dma_wait3A_111 = arith.constant 0 : i32
    %dma_wait3A_112 = tpu.memref_slice %arg7[%dma_wait3A_110, %dma_wait3A_111] : memref<168x384xf32, #tpu.memory_space<vmem>> -> memref<56x384xf32, #tpu.memory_space<vmem>>
    tpu.wait_dma2 semaphore(%arg9 : memref<!tpu.dma_semaphore, #tpu.memory_space<semaphore_mem>>) src(%dma_wait3A_112 : memref<56x384xf32, #tpu.memory_space<vmem>>) dst(%dma_wait3A_109 : memref<56x384xf32, #tpu.memory_space<hbm>>)
    %add3A_113 = arith.constant 3080 : i32
    %add3A_114 = arith.addi %mul3A_2, %add3A_113 : i32
    %dma_wait3A_115 = arith.constant 56 : i32
    %dma_wait3A_116 = arith.constant 0 : i32
    %dma_wait3A_117 = tpu.memref_slice %arg7[%dma_wait3A_115, %dma_wait3A_116] : memref<168x384xf32, #tpu.memory_space<vmem>> -> memref<56x384xf32, #tpu.memory_space<vmem>>
    %dma_wait3A_118 = arith.constant 0 : i32
    %dma_wait3A_119 = tpu.memref_slice %arg4[%add3A_114, %dma_wait3A_118] : memref<100352x384xf32, #tpu.memory_space<hbm>> -> memref<56x384xf32, #tpu.memory_space<hbm>>
    %dma_wait3A_120 = arith.constant 0 : i32
    %dma_wait3A_121 = tpu.memref_slice %arg4[%add3A_114, %dma_wait3A_120] : memref<100352x384xf32, #tpu.memory_space<hbm>> -> memref<56x384xf32, #tpu.memory_space<hbm>>
    %dma_wait3A_122 = arith.constant 56 : i32
    %dma_wait3A_123 = arith.constant 0 : i32
    %dma_wait3A_124 = tpu.memref_slice %arg7[%dma_wait3A_122, %dma_wait3A_123] : memref<168x384xf32, #tpu.memory_space<vmem>> -> memref<56x384xf32, #tpu.memory_space<vmem>>
    tpu.wait_dma2 semaphore(%arg9 : memref<!tpu.dma_semaphore, #tpu.memory_space<semaphore_mem>>) src(%dma_wait3A_124 : memref<56x384xf32, #tpu.memory_space<vmem>>) dst(%dma_wait3A_121 : memref<56x384xf32, #tpu.memory_space<hbm>>)
    return
  }
}

</mosaic_0001>

<sc_bundles>
// kernel: kernel.3.cloned.1.call-start
scs
__scs_entry_jumppad:
0x0: {  	(pc) =	sbr.rel $0x88, $3  }
0x1: {  	(tag) =	ssettag $0x0;
	lr =	simm.s32 $0x1  }
0x2: {  	[smem:$0x3F9F] =	sst lr;
	_ =	strace $0xD0000000  }
0x3: {  	_ = 	snop  }
0x4: {  	_ = 	snop  }
0x5: {  	_ = 	snop  }
0x6: {  	_ = 	snop  }
0x7: {  	_ = 	snop  }
__scs_overlays_trampoline_lowered:
0x8: {  	[smem:$0x3FAE] =	sst s0  }
0x9: {  	[smem:$0x3FAF] =	sst s1  }
0xa: {  	[smem:$0x3FB0] =	sst s2  }
0xb: {  	[smem:$0x3FB1] =	sst s3  }
0xc: {  	[smem:$0x3FB2] =	sst s4  }
0xd: {  	[smem:$0x3FB3] =	sst s5  }
0xe: {  	[smem:$0x3FB4] =	sst s6  }
0xf: {  	[smem:$0x3FB5] =	sst s7  }
0x10: {  	[smem:$0x3FB6] =	sst s8  }
0x11: {  	[smem:$0x3FB7] =	sst s9;
	s0 =	simm.s32 @!p0 $0x0  }
0x12: {  	s1 =	sld [smem:$0x3F9D];
	s0 =	simm.s32 @p0 $0x1  }
0x13: {  	[smem:$0x3FB8] =	sst s0;
	s0 =	simm.s32 @!p1 $0x0  }
0x14: {  	s2 =	sld [smem:$0x3F9C];
	s0 =	simm.s32 @p1 $0x1  }
0x15: {  	[smem:$0x3FB9] =	sst s0;
	s0 =	simm.s32 @!p2 $0x0  }
0x16: {  	s3 =	sld [smem:$0x3FDB];
	s0 =	simm.s32 @p2 $0x1  }
0x17: {  	s4 =	simm.s32 $0x1BF5;
	[smem:$0x3FBB] =	sst s0  }
0x18: {  	s0 =	sld [smem:$0x3F9E];
	_ =	swait.ge [sflag:s4], $0x0  }
0x19: {  	s7 =	sld [smem:$0x3F9F]  }
0x1a: {  	s8 =	sadd.s32 $0xFFFFE003, lr  }
0x1b: {  	s9 =	sadd.s32 $0xFFFFFEF7, lr;
	s5 =	simm.s32 $0xFFFFFFFF;
	p2 =	slt.u32 s8, $0xFFFFF086  }
0x1c: {  	p1 =	slt.u32 s9, $0xF7A;
	s5 =	simm.s32 @!p2 $0x0  }
0x1d: {  	s5 =	simm.s32 @p1 $0x1;
	p0 =	seq.s32 s7, s2  }
0x1e: {  	s7 =	smul.u32 @!p0 $0xF7A, s2;
	p2 =	seq.s32 @!p0 s5, $0x0  }
0x1f: {  	s9 =	smul.u32 $0xF7A, s1;
	s8 =	simm.s32 @!p0 $0x1BF5;
	p2 =	por !p2, p0  }
0x20: {  	[sflag:s8] =	ssyncset.s32 @!p0 $0xFFFFF086;
	s6 =	sadd.s32 @!p0 s3, s7;
	s7 =	simm.s32 @!p0 $0x108  }
0x21: {  	s3 =	sadd.s32 s3, s9;
	s6 =	sadd.s32 @!p0 $0x88, s6;
	s7 =	simm.s32 @p2 $0x1082  }
0x22: {  	[simem:s7], [sflag:s8] =	dma.local @!p0 [hbm:s6], $0xF7A  }
0x23: {  	s9 =	sor.u32 $0xD0000000, s2;
	s6 =	simm.s32 $0x108;
	_ =	swait.ge @!p0 [sflag:s8], $0x0  }
0x24: {  	s3 =	sadd.s32 $0x88, s3;
	s6 =	simm.s32 @!p1 $0x1082;
	[sflag:s4] =	ssyncset.s32 $0xFFFFF086  }
0x25: {  	[simem:s6], [sflag:s4] =	dma.local [hbm:s3], $0xF7A  }
0x26: {  	[smem:$0x3F9F] =	sst s1;
	(tag) =	ssettag s2;
	_ =	strace s9  }
0x27: {  	s1 =	sld [smem:$0x3FAF]  }
0x28: {  	s2 =	sld [smem:$0x3FB0]  }
0x29: {  	s4 =	sld [smem:$0x3FB2]  }
0x2a: {  	p0 =	seq.s32 s5, $0x0;
	s5 =	sld [smem:$0x3FB3]  }
0x2b: {  	s6 =	sld [smem:$0x3FB4]  }
0x2c: {  	s7 =	sld [smem:$0x3FB5]  }
0x2d: {  	s3 =	simm.s32 $0x108;
	s8 =	sld [smem:$0x3FB6]  }
0x2e: {  	s3 =	simm.s32 @!p0 $0x1082;
	s9 =	sld [smem:$0x3FB7]  }
0x2f: {  	lr =	sadd.s32 s0, s3;
	s0 =	sld [smem:$0x3FAE]  }
0x30: {  	s3 =	sld [smem:$0x3FB1]  }
0x31: {  	[smem:$0x3FBA] =	sst s10  }
0x32: {  	s10 =	sld [smem:$0x3FB8];
	_ =	sdelay $0x3  }
0x33: {  	p0 =	seq.s32 s10, $0x1;
	s10 =	sld [smem:$0x3FBA];
	_ =	sdelay $0x3  }
0x34: {  	[smem:$0x3FBA] =	sst s10  }
0x35: {  	s10 =	sld [smem:$0x3FB9];
	_ =	sdelay $0x3  }
0x36: {  	p1 =	seq.s32 s10, $0x1;
	s10 =	sld [smem:$0x3FBA];
	_ =	sdelay $0x3  }
0x37: {  	[smem:$0x3FBA] =	sst s10  }
0x38: {  	s10 =	sld [smem:$0x3FBB]  }
0x39: {  	_ = 	snop;
	(pc) =	sbr.ind lr, $3  }
0x3a: {  	_ = 	snop  }
0x3b: {  	_ = 	snop  }
0x3c: {  	p2 =	seq.s32 s10, $0x1;
	s10 =	sld [smem:$0x3FBA]  }
0x3d: {  	_ =	shalt  }
0x3e: {  	_ =	shalt  }
0x3f: {  	_ =	shalt  }
0x40: {  	_ =	shalt  }
0x41: {  	_ =	shalt  }
0x42: {  	_ =	shalt  }
0x43: {  	_ =	shalt  }
0x44: {  	_ =	shalt  }
0x45: {  	_ =	shalt  }
0x46: {  	_ =	shalt  }
0x47: {  	_ =	shalt  }
0x48: {  	_ =	shalt  }
0x49: {  	_ =	shalt  }
0x4a: {  	_ =	shalt  }
0x4b: {  	_ =	shalt  }
0x4c: {  	_ =	shalt  }
0x4d: {  	_ =	shalt  }
0x4e: {  	_ =	shalt  }
0x4f: {  	_ =	shalt  }
0x50: {  	_ =	shalt  }
0x51: {  	_ =	shalt  }
0x52: {  	_ =	shalt  }
0x53: {  	_ =	shalt  }
0x54: {  	_ =	shalt  }
0x55: {  	_ =	shalt  }
0x56: {  	_ =	shalt  }
0x57: {  	_ =	shalt  }
0x58: {  	_ =	shalt  }
0x59: {  	_ =	shalt  }
0x5a: {  	_ =	shalt  }
0x5b: {  	_ =	shalt  }
0x5c: {  	_ =	shalt  }
0x5d: {  	_ =	shalt  }
0x5e: {  	_ =	shalt  }
0x5f: {  	_ =	shalt  }
0x60: {  	_ =	shalt  }
0x61: {  	_ =	shalt  }
0x62: {  	_ =	shalt  }
0x63: {  	_ =	shalt  }
0x64: {  	_ =	shalt  }
0x65: {  	_ =	shalt  }
0x66: {  	_ =	shalt  }
0x67: {  	_ =	shalt  }
0x68: {  	_ =	shalt  }
0x69: {  	_ =	shalt  }
0x6a: {  	_ =	shalt  }
0x6b: {  	_ =	shalt  }
0x6c: {  	_ =	shalt  }
0x6d: {  	_ =	shalt  }
0x6e: {  	_ =	shalt  }
0x6f: {  	_ =	shalt  }
0x70: {  	_ =	shalt  }
0x71: {  	_ =	shalt  }
0x72: {  	_ =	shalt  }
0x73: {  	_ =	shalt  }
0x74: {  	_ =	shalt  }
0x75: {  	_ =	shalt  }
0x76: {  	_ =	shalt  }
0x77: {  	_ =	shalt  }
0x78: {  	_ =	shalt  }
0x79: {  	_ =	shalt  }
0x7a: {  	_ =	shalt  }
0x7b: {  	_ =	shalt  }
0x7c: {  	_ =	shalt  }
0x7d: {  	_ =	shalt  }
0x7e: {  	_ =	shalt  }
0x7f: {  	_ =	shalt  }
0x80: {  	_ =	shalt  }
0x81: {  	_ =	shalt  }
0x82: {  	_ =	shalt  }
0x83: {  	_ =	shalt  }
0x84: {  	_ =	shalt  }
0x85: {  	_ =	shalt  }
0x86: {  	_ =	shalt  }
0x87: {  	_ =	shalt  }
.Lfunc_end0:
.L_simem_size_0:
called_computation_lowered:
.L_overlay_start_0:
0x88: {  	s2 =	sld [smem:$0x3FD9]  }
0x89: {  	s3 =	sld [smem:$0x3FFE];
	_ =	sdelay $0x1  }
0x8a: {  	s1 =	srdreg.scid  }
0x8b: {  	s0 =	sand.u32 $0x1, s1  }
0x8c: {  	s18 =	sshll.u32 s0, $0xA;
	s2 =	sadd.s32 s3, s2  }
0x8d: {  	s2 =	sadd.s32 s2, s18  }
0x8e: {  	[smem:$0x3FC6] =	sst s2  }
0x8f: {  	_ = 	snop  }
0x90: {  	s2 =	sld [smem:$0x3FC9]  }
0x91: {  	s19 =	sld [smem:$0x3FC8]  }
0x92: {  	s4 =	sld [smem:$0x3FD0];
	(tm) =	ssettm $0x1  }
0x93: {  	s5 =	sld [smem:$0x3FFB];
	_ =	sdelay $0x3  }
0x94: {  	_ =	strace s5  }
0x95: {  	s5 =	sld [smem:$0x3FFC];
	_ =	sdelay $0x3  }
0x96: {  	_ =	strace s5  }
0x97: {  	s5 =	sld [smem:$0x3FFD];
	_ =	sdelay $0x3  }
0x98: {  	_ =	strace s5  }
0x99: {  	_ =	strace $0x8FFFFFFF  }
0x9a: {  	s20 =	sld [smem:$0x3FDB];
	_ =	sdelay $0x1  }
0x9b: {  	s6 =	simm.s32 $_scs_section_size  }
0x9c: {  	s7 =	simm.s32 $_size__tile_overlayer_lowered;
	s8 =	simm.s32 $_tile_overlayer_lowered  }
0x9d: {  	s23 =	simm.s32 $0x1BFF;
	s22 =	sshll.u32 s8, $0x1;
	s5 =	sadd.s32 s6, s20  }
0x9e: {  	s9 =	simm.s32 $0x0;
	s21 =	sshll.u32 s7, $0x1;
	s7 =	sadd.s32 s22, s5  }
0x9f: {  	[timem:s9], [sflag:s23] =	dma.local [hbm:s7], s21  }
0xa0: {  	_ =	swait.ge [sflag:s23], s21  }
0xa1: {  	s6 =	ssub.s32 $0x0, s21;
	[sflag:s23] =	ssyncset.done $0x0  }
0xa2: {  	[sflag:s23] =	ssyncadd.s32 s6;
	_ =	sdelay $0x1  }
0xa3: {  	s24 =	simm.s32 $0x1B8B  }
0xa4: {  	_ =	swait.ge [sflag:s24], $0x1  }
0xa5: {  	[sflag:s24] =	ssyncset.done $0x0  }
0xa6: {  	s25 =	simm.s32 $0x1B8E;
	[sflag:s24] =	ssyncadd.s32 $0xFFFFFFFF  }
0xa7: {  	s26 =	simm.s32 $execute0_lowered;
	[smem:$0x3FD2] =	sst s25  }
0xa8: {  	s6 =	sshll.u32 s26, $0x1;
	_ =	strace $0x80000046;
	[dreg:$0x1] =	wrdreg $0xFFFFFFFF  }
0xa9: {  	s28 =	simm.s32 $_size_execute0_lowered;
	s5 =	sadd.s32 s5, s6;
	[dreg:$0x0] =	wrdreg $0x0  }
0xaa: {  	s6 =	sshll.u32 s28, $0x1;
	[dreg:$0x2] =	wrdreg s5  }
0xab: {  	[dreg:$0x3] =	wrdreg s6  }
0xac: {  	[dreg:$0x4] =	wrdreg $0xC0  }
0xad: {  	_ =	task [dreg:s9], $0x5FFFF  }
0xae: {  	[dreg:$0x1] =	wrdreg $0xFFFFFFFF  }
0xaf: {  	[dreg:$0x0] =	wrdreg $0x60  }
0xb0: {  	[dreg:$0x2] =	wrdreg s2  }
0xb1: {  	[dreg:$0x3] =	wrdreg s19  }
0xb2: {  	[dreg:$0x4] =	wrdreg s4  }
0xb3: {  	[dreg:$0x5] =	wrdreg $0x9  }
0xb4: {  	_ =	task.clear_ibuf [dreg:s9], $0x6FFFF;
	_ =	strace $0x90000046  }
0xb5: {  	s29 =	simm.s32 $0x9;
	_ =	strace $0x80000048  }
0xb6: {  	_ =	swait.ge [sflag:s29], $0x1  }
0xb7: {  	[sflag:s29] =	ssyncadd.s32 $0xFFFFFFFF  }
0xb8: {  	_ =	strace $0x90000048  }
0xb9: {  	_ =	sfence  }
0xba: {  	s30 =	sld [smem:$0x0];
	_ =	sdelay $0x2  }
0xbb: {  	s31 =	sshll.u32 s1, $0xD;
	s1 =	sshrl.u32 s1, $0x2  }
0xbc: {  	s3 =	sand.u32 $0x4000, s31;
	s1 =	sadd.s32 s1, s30  }
0xbd: {  	s0 =	sor.u32 s3, s0;
	s1 =	sshll.u32 s1, $0x11  }
0xbe: {  	s0 =	sor.u32 s1, s0  }
0xbf: {  	s0 =	sadd.s32 $0x8F2B, s0  }
0xc0: {  	[sflag:s0] =	ssyncadd.remote.s32 $0x1  }
0xc1: {  	_ =	sfence.sel $0xFFFF  }
0xc2: {  	[dreg:$0x0] =	wrdreg $0xFFFFFFFF;
	(pc) =	sbr.abs _section_cstart, $3  }
0xc3: {  	[dreg:$0x1] =	wrdreg $0xFFFFFFFF  }
0xc4: {  	_ =	task.clear_ibuf [dreg:s9], $0x2FFFF;
	_ =	strace $0x9FFFFFFF  }
0xc5: {  	(tm) =	ssettm $0x7FFFFFFF  }
tec
execute0_lowered:
.L_overlay_start_1:
0x0: {  	(tag) =	ssettag $0x1  }
0x1: {  	s0 =	srdreg.scid;
	s1 =	stileid.u32  }
0x2: {  	s0 =	sand.u32 $0x1, s0;
	s1 =	sshll.u32 s1, $0x1  }
0x3: {  	s1 =	sor.u32 s0, s1  }
0x4: {  	s6 =	smul.u32 $0xC40, s1;
	_ =	sdelay $0x1  }
0x5: {  	s4 =	rddreg [dreg:$0x0];
	s0 =	ssub.s32 $0x2, s0;
	s1 =	sshrl.u32 s6, $0x3  }
0x6: {  	s3 =	simm.s32 $0x0;
	s31 =	sshrl.u32 s0, $0x1;
	s2 =	smul.u32 $0xC00, s1  }
0x7: {  	[smem:$0x7FF] =	sst s3;
	s0 =	ssub.s32 s0, s31;
	s1 =	smul.u32 $0x180, s1  }
0x8: {  	_ =	strace $0x80000047;
	s0 =	smax.u32 s0, $0x1;
	[dreg:$0x4] =	wrdreg s6  }
0x9: {  	[dreg:$0x8] =	wrdreg s0;
	s2 =	sshrl.u32 s2, $0x3;
	s1 =	sadd.s32 s4, s1  }
0xa: {  	s2 =	sadd.s32 s4, s2;
	[dreg:$0x5] =	wrdreg s1;
	s1 =	sadd.s32 $0x1500, s1  }
0xb: {  	s12 =	simm.s32 $0x180;
	s2 =	sadd.s32 $0xA80, s2;
	[dreg:$0x7] =	wrdreg s1  }
0xc: {  	s29 =	simm.s32 $0x180;
	[dreg:$0x6] =	wrdreg s2;
	s2 =	simm.s32 $0x0  }
.LBB2_1:
0xd: {  	[dreg:$0x9] =	wrdreg s2  }
0xe: {  	s0 =	rddreg [dreg:$0x1];
	s1 =	simm.s32 $0x0;
	s24 =	simm.s32 $0x3  }
0xf: {  	[tilespmem:s1], [sflag:$0x3] =	stream.linear.gather [hbm4b:s0+s1], $0x180, $0x38;
	[tilespmem:$0x1F980] =	vst v63  }
0x10: {  	_ =	swait.ge [sflag:s24], $0x180  }
0x11: {  	[sflag:s24] =	ssyncset.done $0x0  }
0x12: {  	[sflag:s24] =	ssyncadd.s32 $0xFFFFFE80  }
0x13: {  	v0 =	vld [tilespmem:$0x0]  }
0x14: {  	v1 =	vld [tilespmem:$0x10]  }
0x15: {  	v2 =	vld [tilespmem:$0x20]  }
0x16: {  	v3 =	vld [tilespmem:$0x30]  }
0x17: {  	v4 =	vld [tilespmem:$0x40]  }
0x18: {  	v5 =	vld [tilespmem:$0x50]  }
0x19: {  	v6 =	vld [tilespmem:$0x60]  }
0x1a: {  	v7 =	vld [tilespmem:$0x70]  }
0x1b: {  	v9 =	vld [tilespmem:$0x80]  }
0x1c: {  	v42 =	vld [tilespmem:$0x90]  }
0x1d: {  	v45 =	vld [tilespmem:$0xA0]  }
0x1e: {  	v46 =	vld [tilespmem:$0xB0]  }
0x1f: {  	v49 =	vld [tilespmem:$0xC0]  }
0x20: {  	v50 =	vld [tilespmem:$0xD0]  }
0x21: {  	v53 =	vld [tilespmem:$0xE0]  }
0x22: {  	v54 =	vld [tilespmem:$0xF0]  }
0x23: {  	v58 =	vld [tilespmem:$0x100]  }
0x24: {  	v60 =	vld [tilespmem:$0x110];
	v15 =	vand.u32 $0x7F, v0  }
0x25: {  	v33 =	vld [tilespmem:$0x120];
	v8 =	vshll.u32 v1, $0x3;
	v17 =	vand.u32 $0x7F, v1;
	v55 =	vand.u32 $0x7F, v9  }
0x26: {  	v34 =	vld [tilespmem:$0x130];
	v44 =	vshll.u32 v3, $0x3;
	v21 =	vand.u32 $0x7F, v3;
	v61 =	vand.u32 $0x7F, v45;
	[tilespmem:$0x1FD00] =	vst v55  }
0x27: {  	v36 =	vld [tilespmem:$0x140];
	v23 =	vand.u32 $0x7F, v4;
	v47 =	vshll.u32 v4, $0x3;
	v1 =	vand.u32 $0x7F, v46;
	[tilespmem:$0x1FD30] =	vst v61  }
0x28: {  	v37 =	vld [tilespmem:$0x150];
	v51 =	vshll.u32 v6, $0x3;
	v63 =	vshll.u32 v46, $0x3;
	v46 =	vand.u32 $0x7F, v53;
	[tilespmem:$0x1FD50] =	vst v1  }
0x29: {  	s25 =	rddreg [dreg:$0x5];
	v39 =	vand.u32 $0x7F, v49;
	v4 =	vshll.u32 v49, $0x3;
	v49 =	vld [tilespmem:$0x160];
	v3 =	vand.u32 $0x7F, v54;
	[tilespmem:$0x1FD60] =	vst v46  }
0x2a: {  	v28 =	vand.u32 $0xFFFFFC00, v51;
	[tilespmem:$0x1FD80] =	vst v3;
	v51 =	vld [tilespmem:$0x170];
	[tilespmem:s12], [sflag:$0x1] =	stream.linear.gather [hbm4b:s25+s1], $0x5400, $0x38  }
0x2b: {  	[tilespmem:$0x1FDF0] =	vst v15  }
0x2c: {  	v19 =	vand.u32 $0x7F, v2;
	[tilespmem:$0x1FE10] =	vst v17  }
0x2d: {  	[tilespmem:$0x1FE30] =	vst v19  }
0x2e: {  	[tilespmem:$0x1FE50] =	vst v21  }
0x2f: {  	v25 =	vand.u32 $0x7F, v5;
	[tilespmem:$0x1FE70] =	vst v23  }
0x30: {  	v27 =	vand.u32 $0x7F, v6;
	[tilespmem:$0x1FE90] =	vst v25  }
0x31: {  	v29 =	vand.u32 $0x7F, v7;
	[tilespmem:$0x1FEB0] =	vst v27  }
0x32: {  	[tilespmem:$0x1FED0] =	vst v29  }
0x33: {  	v41 =	vand.u32 $0x7F, v50;
	[tilespmem:$0x1FF00] =	vst v39  }
0x34: {  	v0 =	vshll.u32 v0, $0x3;
	v62 =	vshll.u32 v45, $0x3;
	v45 =	vand.u32 $0x7F, v33;
	[tilespmem:$0x1FF20] =	vst v41  }
0x35: {  	v57 =	vshll.u32 v42, $0x3;
	v16 =	vand.u32 $0xFFFFFC00, v0;
	v0 =	vand.u32 $0x7F, v42;
	[tilespmem:$0x1FF60] =	vst v45  }
0x36: {  	v59 =	vand.u32 $0xFFFFFC00, v57;
	[tilespmem:$0x1FD10] =	vst v0  }
0x37: {  	v48 =	vshll.u32 v5, $0x3;
	v52 =	vshll.u32 v7, $0x3;
	v5 =	vand.u32 $0xFFFFFC00, v62;
	[tilespmem:$0x1FD20] =	vst v59  }
0x38: {  	v30 =	vand.u32 $0xFFFFFC00, v52;
	v52 =	vand.u32 $0x7F, v58;
	[tilespmem:$0x1FD40] =	vst v5  }
0x39: {  	v57 =	vand.u32 $0x7F, v36;
	[tilespmem:$0x1FDA0] =	vst v52  }
0x3a: {  	[tilespmem:$0x1FDC0] =	vst v57  }
0x3b: {  	v43 =	vshll.u32 v2, $0x3;
	v18 =	vand.u32 $0xFFFFFC00, v8;
	[tilespmem:$0x1FE00] =	vst v16  }
0x3c: {  	v20 =	vand.u32 $0xFFFFFC00, v43;
	[tilespmem:$0x1FE20] =	vst v18  }
0x3d: {  	v22 =	vand.u32 $0xFFFFFC00, v44;
	[tilespmem:$0x1FE40] =	vst v20  }
0x3e: {  	v24 =	vand.u32 $0xFFFFFC00, v47;
	[tilespmem:$0x1FE60] =	vst v22  }
0x3f: {  	v26 =	vand.u32 $0xFFFFFC00, v48;
	[tilespmem:$0x1FE80] =	vst v24  }
0x40: {  	[tilespmem:$0x1FEA0] =	vst v26  }
0x41: {  	v56 =	vshll.u32 v9, $0x3;
	[tilespmem:$0x1FEC0] =	vst v28  }
0x42: {  	v32 =	vand.u32 $0xFFFFFC00, v56;
	[tilespmem:$0x1FEE0] =	vst v30  }
0x43: {  	v35 =	vshll.u32 v50, $0x3;
	v40 =	vand.u32 $0xFFFFFC00, v4;
	[tilespmem:$0x1FEF0] =	vst v32  }
0x44: {  	v43 =	vand.u32 $0xFFFFFC00, v35;
	[tilespmem:$0x1FF10] =	vst v40  }
0x45: {  	v42 =	vand.u32 $0x7F, v60;
	[tilespmem:$0x1FF30] =	vst v43  }
0x46: {  	v55 =	vshll.u32 v33, $0x3;
	v33 =	vand.u32 $0x7F, v37;
	[tilespmem:$0x1FF40] =	vst v42  }
0x47: {  	v38 =	vand.u32 $0xFFFFFC00, v63;
	v47 =	vshll.u32 v53, $0x3;
	[tilespmem:$0x1FFA0] =	vst v33  }
0x48: {  	v48 =	vshll.u32 v54, $0x3;
	v4 =	vand.u32 $0xFFFFFC00, v47;
	[tilespmem:$0x1FFF0] =	vst v38  }
0x49: {  	v50 =	vand.u32 $0xFFFFFC00, v48;
	[tilespmem:$0x1FD70] =	vst v4  }
0x4a: {  	s28 =	simm.s32 $0x5580;
	s26 =	rddreg [dreg:$0x6];
	v53 =	vshll.u32 v58, $0x3;
	v58 =	vshll.u32 v36, $0x3;
	[tilespmem:$0x1FD90] =	vst v50  }
0x4b: {  	v54 =	vshll.u32 v60, $0x3;
	v0 =	vand.u32 $0xFFFFFC00, v58;
	[tilespmem:s28], [sflag:$0x1] =	stream.linear.gather [hbm4b:s26+s1], $0x5400, $0x38;
	[tilespmem:$0x1F980] =	vst v63  }
0x4c: {  	v44 =	vand.u32 $0xFFFFFC00, v54;
	[tilespmem:$0x1FDD0] =	vst v0  }
0x4d: {  	v46 =	vand.u32 $0xFFFFFC00, v55;
	[tilespmem:$0x1FF50] =	vst v44  }
0x4e: {  	v56 =	vshll.u32 v34, $0x3;
	v47 =	vand.u32 $0x7F, v34;
	[tilespmem:$0x1FF70] =	vst v46  }
0x4f: {  	v63 =	vand.u32 $0xFFFFFC00, v56;
	[tilespmem:$0x1FF80] =	vst v47  }
0x50: {  	v59 =	vshll.u32 v37, $0x3;
	v4 =	vand.u32 $0xFFFFFC00, v53;
	[tilespmem:$0x1FF90] =	vst v63  }
0x51: {  	v36 =	vand.u32 $0xFFFFFC00, v59;
	[tilespmem:$0x1FDB0] =	vst v4  }
0x52: {  	s31 =	simm.s32 $0xA980;
	s30 =	rddreg [dreg:$0x7];
	[tilespmem:$0x1FFB0] =	vst v36  }
0x53: {  	[tilespmem:s31], [sflag:$0x1] =	stream.linear.gather [hbm4b:s30+s1], $0x5400, $0x38;
	v35 =	vand.u32 $0x7F, v49;
	[tilespmem:$0x1F980] =	vst v63  }
0x54: {  	v60 =	vshll.u32 v49, $0x3;
	v62 =	vand.u32 $0x7F, v51;
	[tilespmem:$0x1FFC0] =	vst v35  }
0x55: {  	v61 =	vshll.u32 v51, $0x3;
	v31 =	vand.u32 $0xFFFFFC00, v60;
	[tilespmem:$0x1FDE0] =	vst v62  }
0x56: {  	v37 =	vand.u32 $0xFFFFFC00, v61;
	[tilespmem:$0x1FFD0] =	vst v31  }
0x57: {  	s18 =	simm.s32 $0x0;
	s19 =	simm.s32 $0x0;
	s20 =	simm.s32 $0x0;
	[tilespmem:$0x1FFE0] =	vst v37  }
.LBB2_2:
0x58: {  	s0 =	sand.u32 $0xFF, s18  }
0x59: {  	s0 =	smul.u32 $0xAB, s0;
	_ =	sdelay $0x1  }
0x5a: {  	s0 =	sshrl.u32 s0, $0x9  }
0x5b: {  	s0 =	smul.u32 $0x58, s0;
	_ =	sdelay $0x1  }
0x5c: {  	s0 =	sadd.s32 s0, s19  }
0x5d: {  	s21 =	sand.u32 $0xFF, s0  }
0x5e: {  	s1 =	sadd.s32 $0xFFFFFFFC, s21  }
0x5f: {  	s3 =	sadd.s32 $0x7, s1  }
0x60: {  	v0 =	vmov s3  }
0x61: {  	s2 =	sadd.s32 $0x4, s1;
	s23 =	sadd.s32 $0x5, s1;
	s1 =	sadd.s32 $0x6, s1;
	v1 =	vshrl.u32 v0, $0x3  }
0x62: {  	v2 =	vmov s2;
	v3 =	vmov s1;
	v31 =	vmul.u32 $0xC00, v1  }
0x63: {  	v0 =	vshll.u32 v0, $0x7;
	v4 =	vshrl.u32 v2, $0x3;
	v6 =	vshrl.u32 v3, $0x3  }
0x64: {  	s4 =	simm.s32 $0x1;
	v1 =	vmov s23;
	v33 =	vand.u32 $0x380, v0;
	v5 =	vadd.s32 v16, v31  }
0x65: {  	_ =	swait.ge [sflag:s4], $0x5400;
	v2 =	vshll.u32 v2, $0x7;
	v0 =	vshrl.u32 v1, $0x3;
	v5 =	vor.u32 v33, v5  }
0x66: {  	p0 =	slt.u32 s20, $0x3;
	[sflag:s4] =	ssyncset.done $0x0;
	v36 =	vmul.u32 $0xC00, v4;
	v35 =	vmul.u32 $0xC00, v0;
	v0 =	vor.u32 v15, v5  }
0x67: {  	[sflag:s4] =	ssyncadd.s32 $0xFFFFAC00;
	s4 =	simm.s32 @!p0 $0x2;
	v3 =	vshll.u32 v3, $0x7;
	v34 =	vmul.u32 $0xC00, v6;
	v40 =	vand.u32 $0x200, v2  }
0x68: {  	_ =	swait.ge @!p0 [sflag:s4], $0x5400;
	v39 =	vand.u32 $0x300, v3;
	v1 =	vshll.u32 v1, $0x7;
	v4 =	vadd.s32 v16, v36  }
0x69: {  	[sflag:s4] =	ssyncset.done @!p0 $0x0;
	v37 =	vand.u32 $0x280, v1;
	v1 =	vor.u32 v40, v4;
	v5 =	vadd.s32 v16, v35  }
0x6a: {  	[sflag:s4] =	ssyncadd.s32 @!p0 $0xFFFFAC00;
	v2 =	vadd.s32 v18, v31;
	v1 =	vor.u32 v15, v1;
	v3 =	vor.u32 v37, v5  }
0x6b: {  	s3 =	sshrl.u32 s3, $0x3;
	v2 =	vor.u32 v33, v2;
	v3 =	vor.u32 v15, v3;
	v0 =	vld.idx.msk [tilespmem:v0+s29+$0x0], $0xffff  }
0x6c: {  	s3 =	smul.u32 $0x3000, s3;
	v6 =	vadd.s32 v16, v34;
	v2 =	vor.u32 v17, v2  }
0x6d: {  	v4 =	vor.u32 v39, v6  }
0x6e: {  	s25 =	sand.u32 $0x380, s29;
	s3 =	sshra.s32 s3, $0x2;
	v4 =	vor.u32 v15, v4;
	v6 =	vadd.s32 v18, v35;
	v5 =	vadd.s32 v18, v36  }
0x6f: {  	s2 =	sshrl.u32 s2, $0x3;
	v7 =	vadd.s32 v18, v34;
	s24 =	sor.u32 s25, s3;
	v6 =	vor.u32 v37, v6;
	v5 =	vor.u32 v40, v5;
	v1 =	vld.idx.msk [tilespmem:v1+s29+$0x0], $0xffff  }
0x70: {  	s0 =	sshrl.u32 s23, $0x3;
	s2 =	smul.u32 $0x3000, s2;
	v5 =	vor.u32 v17, v5;
	v3 =	vld.idx.msk [tilespmem:v3+s29+$0x0], $0xffff;
	[tilespmem:s24+$0xFD80] =	vst v0;
	v0 =	vadd.s32 v20, v31  }
0x71: {  	s26 =	simm.s32 $0x0;
	s30 =	simm.s32 $0x80;
	s0 =	smul.u32 $0x3000, s0;
	v8 =	vadd.s32 v20, v36;
	v6 =	vor.u32 v17, v6;
	v2 =	vld.idx.msk [tilespmem:v2+s29+$0x0], $0xffff;
	v0 =	vor.u32 v33, v0  }
0x72: {  	s4 =	sand.u32 $0x280, s30;
	s2 =	sshra.s32 s2, $0x2;
	v10 =	vadd.s32 v20, v34;
	v11 =	vadd.s32 v22, v36;
	s3 =	sand.u32 $0x200, s26;
	v0 =	vor.u32 v19, v0  }
0x73: {  	s1 =	sshrl.u32 s1, $0x3;
	s0 =	sshra.s32 s0, $0x2;
	v14 =	vadd.s32 v26, v36;
	v7 =	vor.u32 v39, v7;
	v8 =	vor.u32 v40, v8;
	s25 =	sor.u32 s3, s2;
	v4 =	vld.idx.msk [tilespmem:v4+s29+$0x0], $0xffff  }
0x74: {  	s1 =	smul.u32 $0x3000, s1;
	s26 =	sor.u32 s4, s0;
	v10 =	vor.u32 v39, v10;
	v11 =	vor.u32 v40, v11;
	v7 =	vor.u32 v17, v7;
	[tilespmem:s25+$0xFD80] =	vst v1  }
0x75: {  	s31 =	simm.s32 $0x100;
	v9 =	vadd.s32 v20, v35;
	v8 =	vor.u32 v19, v8;
	v5 =	vld.idx.msk [tilespmem:v5+s29+$0x0], $0xffff;
	[tilespmem:s26+$0xFD80] =	vst v3  }
0x76: {  	s4 =	sand.u32 $0x300, s31;
	s3 =	sshra.s32 s1, $0x2;
	v9 =	vor.u32 v37, v9;
	v6 =	vld.idx.msk [tilespmem:v6+s29+$0x0], $0xffff;
	[tilespmem:s24+$0xFD90] =	vst v2;
	v2 =	vadd.s32 v22, v31  }
0x77: {  	v12 =	vadd.s32 v22, v35;
	s28 =	sor.u32 s4, s3;
	v9 =	vor.u32 v19, v9;
	v0 =	vld.idx.msk [tilespmem:v0+s29+$0x0], $0xffff;
	v2 =	vor.u32 v33, v2  }
0x78: {  	v10 =	vor.u32 v19, v10;
	[tilespmem:s28+$0xFD80] =	vst v4;
	v4 =	vadd.s32 v24, v34;
	v2 =	vor.u32 v21, v2  }
0x79: {  	v11 =	vor.u32 v21, v11;
	v12 =	vor.u32 v37, v12;
	v7 =	vld.idx.msk [tilespmem:v7+s29+$0x0], $0xffff;
	v4 =	vor.u32 v39, v4  }
0x7a: {  	v1 =	vor.u32 v21, v12;
	v48 =	vor.u32 v23, v4;
	[tilespmem:s25+$0xFD90] =	vst v5;
	v5 =	vadd.s32 v24, v31  }
0x7b: {  	v4 =	vor.u32 v40, v14;
	v8 =	vld.idx.msk [tilespmem:v8+s29+$0x0], $0xffff;
	v5 =	vor.u32 v33, v5;
	[tilespmem:s26+$0xFD90] =	vst v6  }
0x7c: {  	v6 =	vor.u32 v25, v4;
	v9 =	vld.idx.msk [tilespmem:v9+s29+$0x0], $0xffff;
	[tilespmem:s24+$0xFDA0] =	vst v0;
	v0 =	vadd.s32 v26, v34  }
0x7d: {  	v4 =	vor.u32 v23, v5;
	v5 =	vadd.s32 v28, v36;
	v2 =	vld.idx.msk [tilespmem:v2+s29+$0x0], $0xffff;
	v0 =	vor.u32 v39, v0  }
0x7e: {  	v13 =	vadd.s32 v22, v34;
	[tilespmem:s28+$0xFD90] =	vst v7;
	v50 =	vor.u32 v25, v0;
	v0 =	vor.u32 v40, v5  }
0x7f: {  	v13 =	vor.u32 v39, v13;
	v51 =	vor.u32 v27, v0;
	v0 =	vld.idx.msk [tilespmem:v10+s29+$0x0], $0xffff  }
0x80: {  	v12 =	vor.u32 v21, v13;
	[tilespmem:s25+$0xFDA0] =	vst v8  }
0x81: {  	v8 =	vld.idx.msk [tilespmem:v11+s29+$0x0], $0xffff;
	[tilespmem:s26+$0xFDA0] =	vst v9  }
0x82: {  	v1 =	vld.idx.msk [tilespmem:v1+s29+$0x0], $0xffff;
	[tilespmem:s24+$0xFDB0] =	vst v2  }
0x83: {  	v4 =	vld.idx.msk [tilespmem:v4+s29+$0x0], $0xffff  }
0x84: {  	v13 =	vadd.s32 v24, v35;
	[tilespmem:s28+$0xFDA0] =	vst v0  }
0x85: {  	v13 =	vor.u32 v37, v13;
	v3 =	vadd.s32 v24, v36;
	v12 =	vld.idx.msk [tilespmem:v12+s29+$0x0], $0xffff  }
0x86: {  	v13 =	vor.u32 v23, v13;
	v3 =	vor.u32 v40, v3;
	v5 =	vadd.s32 v28, v35;
	v42 =	vld [tilespmem:$0x1FD00];
	[tilespmem:s25+$0xFDB0] =	vst v8  }
0x87: {  	v3 =	vor.u32 v23, v3;
	v5 =	vor.u32 v37, v5;
	v2 =	vadd.s32 v26, v31;
	[tilespmem:s26+$0xFDB0] =	vst v1  }
0x88: {  	v10 =	vadd.s32 v30, v36;
	v53 =	vor.u32 v27, v5;
	v2 =	vor.u32 v33, v2;
	[tilespmem:s24+$0xFDC0] =	vst v4  }
0x89: {  	v9 =	vor.u32 v40, v10;
	v10 =	vadd.s32 v30, v34;
	v2 =	vor.u32 v25, v2;
	v44 =	vld [tilespmem:$0x1FD20]  }
0x8a: {  	v5 =	vadd.s32 v30, v35;
	v0 =	vor.u32 v39, v10;
	v10 =	vadd.s32 v32, v36;
	[tilespmem:s28+$0xFDB0] =	vst v12  }
0x8b: {  	v5 =	vor.u32 v37, v5;
	v54 =	vor.u32 v29, v0;
	v0 =	vor.u32 v40, v10;
	v43 =	vld [tilespmem:$0x1FD10]  }
0x8c: {  	v11 =	vor.u32 v29, v5;
	v5 =	vor.u32 v42, v0;
	v0 =	vadd.s32 v28, v31  }
0x8d: {  	v49 =	vadd.s32 v32, v34;
	v10 =	vadd.s32 v32, v35;
	v0 =	vor.u32 v33, v0  }
0x8e: {  	v4 =	vor.u32 v37, v10;
	v8 =	vld.idx.msk [tilespmem:v2+s29+$0x0], $0xffff;
	v60 =	vor.u32 v27, v0;
	v0 =	vadd.s32 v44, v36  }
0x8f: {  	v2 =	vor.u32 v39, v49;
	v1 =	vadd.s32 v44, v35;
	v0 =	vor.u32 v40, v0  }
0x90: {  	v10 =	vld.idx.msk [tilespmem:v3+s29+$0x0], $0xffff;
	v3 =	vor.u32 v42, v2;
	v2 =	vor.u32 v43, v0;
	v0 =	vor.u32 v37, v1  }
0x91: {  	v13 =	vld.idx.msk [tilespmem:v13+s29+$0x0], $0xffff;
	v12 =	vadd.s32 v44, v34;
	v0 =	vor.u32 v43, v0  }
0x92: {  	v52 =	vld.idx.msk [tilespmem:v48+s29+$0x0], $0xffff;
	v12 =	vor.u32 v39, v12;
	[tilespmem:$0x1FC70] =	vst v0  }
0x93: {  	v1 =	vld [tilespmem:$0x1FD40];
	v0 =	vor.u32 v43, v12;
	[tilespmem:s24+$0xFDD0] =	vst v8  }
0x94: {  	[tilespmem:$0x1FC80] =	vst v0  }
0x95: {  	[tilespmem:s25+$0xFDC0] =	vst v10  }
0x96: {  	[tilespmem:s26+$0xFDC0] =	vst v13  }
0x97: {  	v14 =	vadd.s32 v26, v35;
	v45 =	vld [tilespmem:$0x1FD30]  }
0x98: {  	v14 =	vor.u32 v37, v14  }
0x99: {  	v14 =	vor.u32 v25, v14  }
0x9a: {  	v61 =	vadd.s32 v1, v36  }
0x9b: {  	v12 =	vor.u32 v40, v61  }
0x9c: {  	v55 =	vld.idx.msk [tilespmem:v60+s29+$0x0], $0xffff;
	v0 =	vor.u32 v45, v12  }
0x9d: {  	v62 =	vadd.s32 v1, v35;
	v6 =	vld.idx.msk [tilespmem:v6+s29+$0x0], $0xffff;
	[tilespmem:$0x1FCB0] =	vst v0  }
0x9e: {  	v10 =	vor.u32 v37, v62;
	v12 =	vld.idx.msk [tilespmem:v14+s29+$0x0], $0xffff;
	[tilespmem:s28+$0xFDC0] =	vst v52  }
0x9f: {  	v47 =	vor.u32 v45, v10;
	v10 =	vld.idx.msk [tilespmem:v50+s29+$0x0], $0xffff;
	[tilespmem:$0x1FBF0] =	vst v36  }
0xa0: {  	[tilespmem:$0x1FC00] =	vst v35  }
0xa1: {  	[tilespmem:$0x1FC10] =	vst v40  }
0xa2: {  	[tilespmem:$0x1FC20] =	vst v34  }
0xa3: {  	v8 =	vadd.s32 v30, v31;
	[tilespmem:s24+$0xFDE0] =	vst v55  }
0xa4: {  	v8 =	vor.u32 v33, v8;
	[tilespmem:$0x1FC30] =	vst v37  }
0xa5: {  	v7 =	vadd.s32 v28, v34;
	v8 =	vor.u32 v29, v8;
	[tilespmem:$0x1FC40] =	vst v39  }
0xa6: {  	s5 =	sadd.s32 $0x0, s21;
	v7 =	vor.u32 v39, v7;
	[tilespmem:s25+$0xFDD0] =	vst v6  }
0xa7: {  	s9 =	sadd.s32 $0x5, s5;
	v7 =	vor.u32 v27, v7;
	v63 =	vadd.s32 v1, v34;
	v41 =	vld [tilespmem:$0x1FD50]  }
0xa8: {  	v9 =	vor.u32 v29, v9;
	v49 =	vmov s9;
	v13 =	vor.u32 v39, v63  }
0xa9: {  	v46 =	vor.u32 v45, v13;
	v13 =	vadd.s32 v38, v36;
	v36 =	vadd.s32 v32, v31  }
0xaa: {  	v48 =	vadd.s32 v44, v31;
	v14 =	vadd.s32 v38, v35;
	v56 =	vor.u32 v33, v36;
	v8 =	vld.idx.msk [tilespmem:v8+s29+$0x0], $0xffff  }
0xab: {  	s8 =	sadd.s32 $0x7, s5;
	v13 =	vor.u32 v40, v13;
	v14 =	vor.u32 v37, v14;
	v6 =	vor.u32 v42, v56  }
0xac: {  	s7 =	sadd.s32 $0x4, s5;
	[tilespmem:s28+$0xFDD0] =	vst v10;
	v52 =	vor.u32 v41, v13;
	v50 =	vor.u32 v41, v14;
	v13 =	vld.idx.msk [tilespmem:v51+s29+$0x0], $0xffff;
	v14 =	vmov s8  }
0xad: {  	s0 =	sadd.s32 $0x6, s5;
	v35 =	vadd.s32 v38, v34;
	[tilespmem:s26+$0xFDD0] =	vst v12;
	v12 =	vmov s7;
	v7 =	vld.idx.msk [tilespmem:v7+s29+$0x0], $0xffff;
	v57 =	vshrl.u32 v14, $0x3  }
0xae: {  	v40 =	vmov s0;
	v53 =	vld.idx.msk [tilespmem:v53+s29+$0x0], $0xffff;
	v10 =	vshrl.u32 v12, $0x3;
	v59 =	vmul.u32 $0xC00, v57  }
0xaf: {  	v37 =	vor.u32 v39, v35;
	v35 =	vmul.u32 $0xC00, v10;
	[tilespmem:s24+$0xFDF0] =	vst v8;
	v14 =	vshll.u32 v14, $0x7  }
0xb0: {  	v6 =	vld.idx.msk [tilespmem:v6+s29+$0x0], $0xffff;
	v60 =	vand.u32 $0x380, v14;
	v14 =	vor.u32 v33, v48;
	v61 =	vadd.s32 v16, v59  }
0xb1: {  	v8 =	vshrl.u32 v40, $0x3;
	[tilespmem:s25+$0xFDE0] =	vst v13;
	v10 =	vor.u32 v60, v61;
	v13 =	vor.u32 v43, v14  }
0xb2: {  	v58 =	vshrl.u32 v49, $0x3;
	v34 =	vmul.u32 $0xC00, v8;
	[tilespmem:s28+$0xFDE0] =	vst v7;
	v9 =	vld.idx.msk [tilespmem:v9+s29+$0x0], $0xffff;
	v8 =	vor.u32 v15, v10  }
0xb3: {  	v36 =	vmul.u32 $0xC00, v58;
	v51 =	vor.u32 v41, v37;
	[tilespmem:s26+$0xFDE0] =	vst v53;
	v54 =	vld.idx.msk [tilespmem:v54+s29+$0x0], $0xffff  }
0xb4: {  	v7 =	vadd.s32 v16, v35;
	v10 =	vld.idx.msk [tilespmem:v11+s29+$0x0], $0xffff;
	v11 =	vshll.u32 v12, $0x7;
	v12 =	vshll.u32 v49, $0x7  }
0xb5: {  	v57 =	vadd.s32 v16, v34;
	[tilespmem:s24+$0x10180] =	vst v6;
	v39 =	vand.u32 $0x280, v12;
	v12 =	vadd.s32 v1, v31  }
0xb6: {  	s3 =	sshrl.u32 s8, $0x3;
	v14 =	vshll.u32 v40, $0x7;
	v40 =	vand.u32 $0x200, v11;
	v12 =	vor.u32 v33, v12;
	v11 =	vld.idx.msk [tilespmem:v13+s29+$0x0], $0xffff  }
0xb7: {  	s3 =	smul.u32 $0x3000, s3;
	v37 =	vand.u32 $0x300, v14;
	v14 =	vadd.s32 v18, v59;
	v8 =	vld.idx.msk [tilespmem:v8+s29+$0x0], $0xffff;
	[tilespmem:s25+$0xFDF0] =	vst v9;
	v9 =	vor.u32 v45, v12  }
0xb8: {  	v49 =	vadd.s32 v16, v36;
	v14 =	vor.u32 v60, v14;
	[tilespmem:s28+$0xFDF0] =	vst v54;
	v13 =	vor.u32 v37, v57  }
0xb9: {  	s14 =	simm.s32 $0x380;
	s3 =	sshra.s32 s3, $0x2;
	v6 =	vor.u32 v40, v7;
	v12 =	vor.u32 v15, v13;
	v13 =	vor.u32 v17, v14;
	[tilespmem:s26+$0xFDF0] =	vst v10  }
0xba: {  	s5 =	sand.u32 $0x380, s14;
	s4 =	sadd.s32 $0x10180, s24;
	v7 =	vor.u32 v39, v49;
	v6 =	vor.u32 v15, v6;
	v5 =	vld.idx.msk [tilespmem:v5+s29+$0x0], $0xffff;
	[dreg:$0xc] =	wrdreg s3  }
0xbb: {  	s13 =	sor.u32 s5, s3;
	v7 =	vor.u32 v15, v7;
	[tilespmem:s4+$0x10] =	vst v11  }
0xbc: {  	[tilespmem:s13+$0xFD80] =	vst v8;
	v8 =	vld.idx.msk [tilespmem:v9+s29+$0x0], $0xffff  }
0xbd: {  	v4 =	vor.u32 v42, v4;
	v9 =	vadd.s32 v38, v31;
	[tilespmem:$0x1FC50] =	vst v31  }
0xbe: {  	s1 =	sshrl.u32 s7, $0x3;
	v9 =	vor.u32 v33, v9;
	v13 =	vld.idx.msk [tilespmem:v13+s29+$0x0], $0xffff;
	[tilespmem:$0x1FC60] =	vst v33  }
0xbf: {  	s1 =	smul.u32 $0x3000, s1;
	v62 =	vadd.s32 v20, v59;
	v9 =	vor.u32 v41, v9;
	v6 =	vld.idx.msk [tilespmem:v6+s29+$0x0], $0xffff  }
0xc0: {  	s2 =	sshrl.u32 s9, $0x3;
	v55 =	vor.u32 v60, v62;
	v7 =	vld.idx.msk [tilespmem:v7+s29+$0x0], $0xffff  }
0xc1: {  	s2 =	smul.u32 $0x3000, s2;
	s10 =	sshra.s32 s1, $0x2;
	v55 =	vor.u32 v19, v55;
	v10 =	vadd.s32 v18, v35;
	v12 =	vld.idx.msk [tilespmem:v12+s29+$0x0], $0xffff;
	[tilespmem:s4+$0x20] =	vst v8  }
0xc2: {  	s11 =	simm.s32 $0x200;
	s0 =	sshrl.u32 s0, $0x3;
	v58 =	vadd.s32 v18, v34;
	v63 =	vadd.s32 v20, v34;
	v10 =	vor.u32 v40, v10;
	v4 =	vld.idx.msk [tilespmem:v4+s29+$0x0], $0xffff;
	[dreg:$0xd] =	wrdreg s10  }
0xc3: {  	s1 =	sand.u32 $0x200, s11;
	s0 =	smul.u32 $0x3000, s0;
	s8 =	sshra.s32 s2, $0x2;
	v48 =	vadd.s32 v22, v34;
	v14 =	vadd.s32 v18, v36;
	v10 =	vor.u32 v17, v10;
	[tilespmem:s13+$0xFD90] =	vst v13  }
0xc4: {  	s15 =	simm.s32 $0x280;
	s7 =	sor.u32 s1, s10;
	v61 =	vadd.s32 v20, v36;
	v62 =	vadd.s32 v24, v35;
	v14 =	vor.u32 v39, v14;
	v9 =	vld.idx.msk [tilespmem:v9+s29+$0x0], $0xffff;
	[dreg:$0xe] =	wrdreg s8  }
0xc5: {  	s17 =	sshra.s32 s0, $0x2;
	s2 =	sand.u32 $0x280, s15;
	v53 =	vor.u32 v37, v58;
	v56 =	vor.u32 v37, v63;
	v14 =	vor.u32 v17, v14;
	[tilespmem:s7+$0xFD80] =	vst v6  }
0xc6: {  	s11 =	sor.u32 s2, s8;
	v53 =	vor.u32 v17, v53;
	v54 =	vor.u32 v39, v61;
	v61 =	vadd.s32 v22, v59;
	v13 =	vld.idx.msk [tilespmem:v55+s29+$0x0], $0xffff;
	[dreg:$0xf] =	wrdreg s17  }
0xc7: {  	s16 =	simm.s32 $0x300;
	v58 =	vadd.s32 v22, v36;
	v11 =	vadd.s32 v20, v35;
	[tilespmem:s11+$0xFD80] =	vst v7;
	v7 =	vor.u32 v60, v61  }
0xc8: {  	s22 =	sand.u32 $0x300, s16;
	v63 =	vadd.s32 v24, v36;
	v11 =	vor.u32 v40, v11;
	v10 =	vld.idx.msk [tilespmem:v10+s29+$0x0], $0xffff;
	v7 =	vor.u32 v21, v7  }
0xc9: {  	s16 =	sor.u32 s22, s17;
	v56 =	vor.u32 v19, v56;
	v58 =	vor.u32 v39, v58;
	v11 =	vor.u32 v19, v11  }
0xca: {  	v49 =	vor.u32 v37, v48;
	v33 =	vadd.s32 v22, v35;
	[tilespmem:s16+$0xFD80] =	vst v12;
	v14 =	vld.idx.msk [tilespmem:v14+s29+$0x0], $0xffff  }
0xcb: {  	v54 =	vor.u32 v19, v54;
	v57 =	vor.u32 v40, v33;
	[tilespmem:s25+$0x10180] =	vst v5;
	v53 =	vld.idx.msk [tilespmem:v53+s29+$0x0], $0xffff  }
0xcc: {  	v48 =	vadd.s32 v26, v35;
	v8 =	vor.u32 v21, v57;
	[tilespmem:s13+$0xFDA0] =	vst v13;
	v13 =	vadd.s32 v24, v59  }
0xcd: {  	v57 =	vor.u32 v21, v49;
	v13 =	vor.u32 v60, v13;
	[tilespmem:s7+$0xFD90] =	vst v10;
	v7 =	vld.idx.msk [tilespmem:v7+s29+$0x0], $0xffff  }
0xce: {  	v49 =	vadd.s32 v26, v36;
	[tilespmem:s4+$0x30] =	vst v9;
	v13 =	vor.u32 v23, v13;
	v11 =	vld.idx.msk [tilespmem:v11+s29+$0x0], $0xffff  }
0xcf: {  	v3 =	vld.idx.msk [tilespmem:v3+s29+$0x0], $0xffff;
	v9 =	vor.u32 v40, v48;
	v10 =	vor.u32 v39, v49;
	[tilespmem:s11+$0xFD90] =	vst v14  }
0xd0: {  	[tilespmem:s16+$0xFD90] =	vst v53;
	v48 =	vor.u32 v25, v10;
	v10 =	vadd.s32 v28, v36;
	v54 =	vld.idx.msk [tilespmem:v54+s29+$0x0], $0xffff  }
0xd1: {  	v6 =	vor.u32 v21, v58;
	[tilespmem:s26+$0x10180] =	vst v4;
	v53 =	vld.idx.msk [tilespmem:v56+s29+$0x0], $0xffff;
	v5 =	vor.u32 v39, v10  }
0xd2: {  	v55 =	vor.u32 v39, v63;
	v10 =	vor.u32 v27, v5;
	v5 =	vadd.s32 v26, v59;
	[tilespmem:s13+$0xFDB0] =	vst v7  }
0xd3: {  	v63 =	vadd.s32 v32, v35;
	v5 =	vor.u32 v60, v5;
	[tilespmem:s7+$0xFDA0] =	vst v11;
	v11 =	vld.idx.msk [tilespmem:v13+s29+$0x0], $0xffff  }
0xd4: {  	v12 =	vor.u32 v40, v62;
	v4 =	vadd.s32 v30, v35;
	[tilespmem:s28+$0x10180] =	vst v3;
	v5 =	vor.u32 v25, v5  }
0xd5: {  	v12 =	vor.u32 v23, v12;
	v4 =	vor.u32 v40, v4;
	v56 =	vld.idx.msk [tilespmem:v8+s29+$0x0], $0xffff;
	[tilespmem:s11+$0xFDA0] =	vst v54  }
0xd6: {  	v3 =	vor.u32 v40, v63;
	v13 =	vadd.s32 v30, v36;
	[tilespmem:s16+$0xFDA0] =	vst v53;
	v54 =	vld.idx.msk [tilespmem:v6+s29+$0x0], $0xffff  }
0xd7: {  	v7 =	vor.u32 v29, v4;
	v8 =	vadd.s32 v30, v34;
	v4 =	vor.u32 v39, v13;
	v13 =	vld.idx.msk [tilespmem:v57+s29+$0x0], $0xffff  }
0xd8: {  	v6 =	vor.u32 v37, v8;
	v8 =	vor.u32 v29, v4;
	v4 =	vadd.s32 v32, v36;
	[tilespmem:s13+$0xFDC0] =	vst v11  }
0xd9: {  	v33 =	vadd.s32 v24, v34;
	v63 =	vor.u32 v42, v3;
	v3 =	vor.u32 v39, v4;
	v4 =	vld.idx.msk [tilespmem:v5+s29+$0x0], $0xffff  }
0xda: {  	v58 =	vor.u32 v37, v33  }
0xdb: {  	v55 =	vor.u32 v23, v55;
	v0 =	vor.u32 v25, v9;
	v9 =	vadd.s32 v28, v35;
	[tilespmem:s7+$0xFDB0] =	vst v56  }
0xdc: {  	v58 =	vor.u32 v23, v58;
	v62 =	vadd.s32 v26, v34;
	v9 =	vor.u32 v40, v9;
	[tilespmem:s11+$0xFDB0] =	vst v54  }
0xdd: {  	v14 =	vor.u32 v37, v62;
	v62 =	vadd.s32 v28, v34;
	v12 =	vld.idx.msk [tilespmem:v12+s29+$0x0], $0xffff;
	[tilespmem:s16+$0xFDB0] =	vst v13  }
0xde: {  	v33 =	vadd.s32 v32, v34;
	v31 =	vor.u32 v27, v9;
	v9 =	vor.u32 v37, v62;
	[tilespmem:s13+$0xFDD0] =	vst v4  }
0xdf: {  	v62 =	vor.u32 v42, v3;
	v11 =	vadd.s32 v28, v59;
	v5 =	vor.u32 v37, v33;
	v4 =	vld [tilespmem:$0x1FC70]  }
0xe0: {  	v3 =	vor.u32 v60, v11;
	v61 =	vor.u32 v42, v5;
	v5 =	vadd.s32 v44, v35  }
0xe1: {  	v11 =	vld.idx.msk [tilespmem:v55+s29+$0x0], $0xffff;
	v3 =	vor.u32 v27, v3;
	v42 =	vadd.s32 v44, v36;
	v5 =	vor.u32 v40, v5  }
0xe2: {  	v13 =	vld.idx.msk [tilespmem:v58+s29+$0x0], $0xffff;
	v58 =	vor.u32 v43, v5;
	v5 =	vor.u32 v39, v42;
	[tilespmem:s7+$0xFDC0] =	vst v12  }
0xe3: {  	v54 =	vor.u32 v43, v5;
	v5 =	vld [tilespmem:$0x1FC80];
	_ =	sdelay $0x1  }
0xe4: {  	v2 =	vld.idx.msk [tilespmem:v2+s29+$0x0], $0xffff;
	v49 =	vor.u32 v25, v14  }
0xe5: {  	v14 =	vld.idx.msk [tilespmem:v3+s29+$0x0], $0xffff  }
0xe6: {  	v33 =	vadd.s32 v44, v34;
	v44 =	vadd.s32 v1, v35;
	[tilespmem:s11+$0xFDC0] =	vst v11;
	v4 =	vld.idx.msk [tilespmem:v4+s29+$0x0], $0xffff  }
0xe7: {  	v11 =	vadd.s32 v1, v36;
	[tilespmem:s16+$0xFDC0] =	vst v13;
	v13 =	vadd.s32 v1, v34;
	v1 =	vld.idx.msk [tilespmem:v0+s29+$0x0], $0xffff  }
0xe8: {  	s2 =	sadd.s32 $0x10180, s25;
	v57 =	vadd.s32 v30, v59;
	v11 =	vor.u32 v39, v11;
	v48 =	vld.idx.msk [tilespmem:v48+s29+$0x0], $0xffff  }
0xe9: {  	v0 =	vor.u32 v60, v57;
	[tilespmem:s2+$0x10] =	vst v2;
	v57 =	vor.u32 v45, v11;
	v11 =	vld.idx.msk [tilespmem:v49+s29+$0x0], $0xffff  }
0xea: {  	s5 =	sadd.s32 $0x10180, s26;
	v5 =	vld.idx.msk [tilespmem:v5+s29+$0x0], $0xffff;
	[tilespmem:$0x1FC90] =	vst v35  }
0xeb: {  	[tilespmem:s5+$0x10] =	vst v4  }
0xec: {  	v2 =	vld [tilespmem:$0x1FCB0];
	_ =	sdelay $0x3  }
0xed: {  	s23 =	smul.u32 $0xAB, s20;
	_ =	sdelay $0x1  }
0xee: {  	s0 =	sshrl.u32 s23, $0x9  }
0xef: {  	s0 =	sand.u32 $0x7F, s0;
	[tilespmem:$0x1FCA0] =	vst v36  }
0xf0: {  	s0 =	smul.u32 $0x3, s0;
	s17 =	sadd.s32 $0x10180, s28;
	v9 =	vor.u32 v27, v9;
	v2 =	vld.idx.msk [tilespmem:v2+s29+$0x0], $0xffff;
	[tilespmem:$0x1FCC0] =	vst v40  }
0xf1: {  	v6 =	vor.u32 v29, v6;
	v42 =	vor.u32 v37, v33;
	v12 =	vor.u32 v40, v44;
	[tilespmem:s17+$0x10] =	vst v5  }
0xf2: {  	s0 =	ssub.s32 s20, s0;
	v53 =	vor.u32 v43, v42;
	v55 =	vor.u32 v45, v12;
	v13 =	vor.u32 v37, v13;
	[tilespmem:$0x1FCD0] =	vst v34  }
0xf3: {  	s0 =	smul.u32 $0x38, s0;
	v12 =	vor.u32 v29, v0;
	v0 =	vadd.s32 v38, v35;
	v5 =	vld.idx.msk [tilespmem:v47+s29+$0x0], $0xffff;
	[tilespmem:$0x1FCE0] =	vst v39  }
0xf4: {  	s30 =	smul.u32 $0x38, s20;
	v33 =	vmovc v22;
	v43 =	vmov v21;
	v56 =	vor.u32 v45, v13;
	v13 =	vor.u32 v40, v0;
	[tilespmem:$0x1FCF0] =	vst v37  }
0xf5: {  	s0 =	sand.u32 $0xF8, s0;
	v0 =	vadd.s32 v38, v34;
	v49 =	vmovc v60;
	v35 =	vmov v24;
	v4 =	vadd.s32 v38, v36;
	[tilespmem:s13+$0xFDE0] =	vst v14  }
0xf6: {  	s31 =	sadd.s32 s6, s30;
	v38 =	vmovc v27;
	v27 =	vmov v16;
	v3 =	vor.u32 v39, v4;
	v4 =	vor.u32 v37, v0;
	v0 =	vld.idx.msk [tilespmem:v46+s29+$0x0], $0xffff;
	[dreg:$0xb] =	wrdreg s0  }
0xf7: {  	s6 =	simm.s32 $0x4;
	v36 =	vmovc v25;
	v3 =	vor.u32 v41, v3;
	v40 =	vmovc v18;
	v34 =	vmov v23;
	v14 =	vadd.s32 v32, v59;
	[dreg:$0xa] =	wrdreg s31  }
0xf8: {  	s9 =	smov.u32 s5;
	s22 =	sadd.s32 $0x10180, s7;
	s15 =	sadd.s32 $0x10180, s11;
	v37 =	vmovc v26;
	v26 =	vmov v15;
	v39 =	vmov v17;
	v14 =	vor.u32 v60, v14;
	[tilespmem:s7+$0xFDD0] =	vst v1;
	v12 =	vld.idx.msk [tilespmem:v12+s29+$0x0], $0xffff  }
0xf9: {  	s3 =	sadd.s32 $0x10180, s16;
	s8 =	smov.u32 s2;
	s10 =	smov.u32 s17;
	v1 =	vor.u32 v41, v13;
	[tilespmem:s11+$0xFDD0] =	vst v48;
	v48 =	vmovc v59;
	v41 =	vmov v19;
	v13 =	vld.idx.msk [tilespmem:v31+s29+$0x0], $0xffff;
	v31 =	vmov v20  }
.LBB2_3:
0xfa: {  	_ = 	snop  }
0xfb: {  	v42 =	vld [tilespmem:$0x1FD50];
	[tilespmem:s16+$0xFDD0] =	vst v11  }
0xfc: {  	s1 =	sadd.s32 s6, s21;
	v45 =	vld [tilespmem:$0x1FD00];
	[tilespmem:s8+$0x20] =	vst v2  }
0xfd: {  	v10 =	vld.idx.msk [tilespmem:v10+s29+$0x0], $0xffff;
	s23 =	sadd.s32 $0x4, s1;
	[tilespmem:s9+$0x20] =	vst v5;
	v5 =	vmov v1  }
0xfe: {  	v47 =	vld [tilespmem:$0x1FD20];
	s0 =	sadd.s32 $0x7, s1;
	s30 =	sadd.s32 $0x5, s1;
	s1 =	sadd.s32 $0x6, s1;
	v15 =	vmov s23;
	[tilespmem:$0x1FBD0] =	vst v5  }
0xff: {  	v46 =	vld [tilespmem:$0x1FD10];
	v17 =	vmov s1;
	v2 =	vmov s0;
	v5 =	vmov s30;
	[tilespmem:s13+$0xFDF0] =	vst v12  }
0x100: {  	v16 =	vld.idx.msk [tilespmem:v52+s29+$0x0], $0xffff;
	v1 =	vshrl.u32 v2, $0x3;
	v2 =	vshll.u32 v2, $0x7;
	[tilespmem:s7+$0xFDE0] =	vst v13;
	v4 =	vor.u32 v42, v4  }
0x101: {  	v11 =	vor.u32 v45, v14;
	v14 =	vld.idx.msk [tilespmem:v9+s29+$0x0], $0xffff;
	[tilespmem:s10+$0x20] =	vst v0;
	v0 =	vmovc v3;
	v3 =	vshrl.u32 v5, $0x3;
	v19 =	vmul.u32 $0xC00, v1  }
0x102: {  	v18 =	vld.idx.msk [tilespmem:v50+s29+$0x0], $0xffff;
	v1 =	vshrl.u32 v17, $0x3;
	v9 =	vand.u32 $0x380, v2;
	[tilespmem:$0x1FBE0] =	vst v0;
	v0 =	vshrl.u32 v15, $0x3  }
0x103: {  	v7 =	vld.idx.msk [tilespmem:v7+s29+$0x0], $0xffff;
	v52 =	vmovc v4;
	v4 =	vadd.s32 v47, v48;
	v1 =	vmul.u32 $0xC00, v1;
	v13 =	vadd.s32 v27, v19  }
0x104: {  	[tilespmem:s11+$0xFDE0] =	vst v10;
	v12 =	vld.idx.msk [tilespmem:v51+s29+$0x0], $0xffff;
	v2 =	vor.u32 v49, v4;
	v0 =	vmul.u32 $0xC00, v0;
	v23 =	vadd.s32 v40, v19  }
0x105: {  	v8 =	vld.idx.msk [tilespmem:v8+s29+$0x0], $0xffff;
	v4 =	vor.u32 v9, v13;
	v10 =	vor.u32 v46, v2;
	v2 =	vmul.u32 $0xC00, v3  }
0x106: {  	v51 =	vld [tilespmem:$0x1FD40];
	v3 =	vshll.u32 v15, $0x7;
	v22 =	vadd.s32 v27, v1;
	v20 =	vadd.s32 v40, v1;
	[tilespmem:s8+$0x30] =	vst v16  }
0x107: {  	v13 =	vor.u32 v26, v4;
	v4 =	vshll.u32 v5, $0x7;
	[tilespmem:s9+$0x30] =	vst v18;
	v15 =	vadd.s32 v27, v0;
	v11 =	vld.idx.msk [tilespmem:v11+s29+$0x0], $0xffff  }
0x108: {  	v50 =	vld [tilespmem:$0x1FD30];
	v5 =	vand.u32 $0x200, v3;
	[tilespmem:s16+$0xFDE0] =	vst v14;
	v21 =	vadd.s32 v27, v2;
	v3 =	vand.u32 $0x280, v4  }
0x109: {  	v16 =	vor.u32 v9, v23;
	v6 =	vld.idx.msk [tilespmem:v6+s29+$0x0], $0xffff;
	[tilespmem:s10+$0x30] =	vst v12;
	v12 =	vor.u32 v3, v21  }
0x10a: {  	v23 =	vadd.s32 v31, v1;
	v14 =	vshll.u32 v17, $0x7;
	[tilespmem:s7+$0xFDF0] =	vst v7;
	v12 =	vor.u32 v26, v12  }
0x10b: {  	v44 =	vadd.s32 v40, v2;
	v4 =	vand.u32 $0x300, v14;
	v14 =	vadd.s32 v51, v48;
	[tilespmem:s11+$0xFDF0] =	vst v8  }
0x10c: {  	v8 =	vadd.s32 v40, v0;
	v17 =	vld.idx.msk [tilespmem:v63+s29+$0x0], $0xffff;
	[tilespmem:s13+$0x10180] =	vst v11;
	v11 =	vor.u32 v5, v15  }
0x10d: {  	s0 =	sshrl.u32 s0, $0x3;
	v14 =	vor.u32 v49, v14;
	v15 =	vor.u32 v4, v22;
	v10 =	vld.idx.msk [tilespmem:v10+s29+$0x0], $0xffff;
	v11 =	vor.u32 v26, v11  }
0x10e: {  	s14 =	sadd.s32 $0x200, s14;
	s0 =	smul.u32 $0x3000, s0;
	v63 =	vadd.s32 v33, v0;
	v7 =	vor.u32 v50, v14;
	v13 =	vld.idx.msk [tilespmem:v13+s29+$0x0], $0xffff;
	v14 =	vor.u32 v26, v15  }
0x10f: {  	s31 =	sadd.s32 $0xFFFFFF00, s14;
	s23 =	sshrl.u32 s23, $0x3;
	s30 =	sshrl.u32 s30, $0x3;
	[tilespmem:s16+$0xFDF0] =	vst v6;
	v6 =	vor.u32 v5, v8;
	v8 =	vor.u32 v3, v44;
	v12 =	vld.idx.msk [tilespmem:v12+s29+$0x0], $0xffff  }
0x110: {  	s30 =	smul.u32 $0x3000, s30;
	s9 =	smov.u32 s15;
	s15 =	sshra.s32 s0, $0x2;
	v21 =	vor.u32 v4, v20;
	v20 =	vadd.s32 v33, v2;
	v44 =	vld [tilespmem:$0x1FFF0];
	v8 =	vor.u32 v39, v8  }
0x111: {  	s0 =	sadd.s32 $0x10180, s13;
	s10 =	smov.u32 s3;
	s3 =	sand.u32 $0x380, s14;
	v62 =	vld.idx.msk [tilespmem:v62+s29+$0x0], $0xffff;
	v20 =	vor.u32 v3, v20;
	v22 =	vadd.s32 v31, v2;
	v15 =	vor.u32 v39, v16  }
0x112: {  	s30 =	sshra.s32 s30, $0x2;
	s13 =	sor.u32 s3, s15;
	s15 =	sand.u32 $0x280, s31;
	v16 =	vor.u32 v39, v21;
	v18 =	vor.u32 v3, v22;
	[tilespmem:s0+$0x10] =	vst v10;
	v11 =	vld.idx.msk [tilespmem:v11+s29+$0x0], $0xffff  }
0x113: {  	s1 =	sshrl.u32 s1, $0x3;
	s23 =	smul.u32 $0x3000, s23;
	s30 =	sor.u32 s15, s30;
	v22 =	vor.u32 v5, v63;
	v6 =	vor.u32 v39, v6;
	v14 =	vld.idx.msk [tilespmem:v14+s29+$0x0], $0xffff;
	[tilespmem:s13+$0xFD80] =	vst v13  }
0x114: {  	s1 =	smul.u32 $0x3000, s1;
	s8 =	smov.u32 s22;
	s22 =	sadd.s32 $0xFFFFFE80, s14;
	v18 =	vor.u32 v41, v18;
	v10 =	vadd.s32 v31, v0;
	[tilespmem:s30+$0xFD80] =	vst v12;
	v7 =	vld.idx.msk [tilespmem:v7+s29+$0x0], $0xffff  }
0x115: {  	s23 =	sshra.s32 s23, $0x2;
	s3 =	sand.u32 $0x200, s22;
	s22 =	sadd.s32 $0xFFFFFF80, s14;
	v13 =	vadd.s32 v44, v48;
	v48 =	vmov v19;
	v10 =	vor.u32 v5, v10;
	v8 =	vld.idx.msk [tilespmem:v8+s29+$0x0], $0xffff  }
0x116: {  	s1 =	sshra.s32 s1, $0x2;
	s31 =	sor.u32 s3, s23;
	s23 =	sand.u32 $0x300, s22;
	v15 =	vld.idx.msk [tilespmem:v15+s29+$0x0], $0xffff;
	v19 =	vadd.s32 v31, v48;
	v13 =	vor.u32 v49, v13;
	v49 =	vor.u32 v4, v23  }
0x117: {  	s1 =	sor.u32 s23, s1;
	v19 =	vor.u32 v9, v19;
	v13 =	vor.u32 v42, v13;
	v21 =	vor.u32 v41, v49;
	[tilespmem:s31+$0xFD80] =	vst v11  }
0x118: {  	v49 =	vadd.s32 v33, v1;
	v19 =	vor.u32 v41, v19;
	[tilespmem:s1+$0xFD80] =	vst v14;
	v6 =	vld.idx.msk [tilespmem:v6+s29+$0x0], $0xffff  }
0x119: {  	v10 =	vor.u32 v41, v10;
	v23 =	vadd.s32 v35, v0;
	v16 =	vld.idx.msk [tilespmem:v16+s29+$0x0], $0xffff;
	[tilespmem:s0+$0x20] =	vst v7  }
0x11a: {  	v63 =	vor.u32 v4, v49;
	v11 =	vor.u32 v43, v20;
	v61 =	vld.idx.msk [tilespmem:v61+s29+$0x0], $0xffff;
	[tilespmem:s30+$0xFD90] =	vst v8  }
0x11b: {  	v12 =	vor.u32 v43, v63;
	v63 =	vadd.s32 v35, v1;
	v49 =	vmov v9;
	[tilespmem:s13+$0xFD90] =	vst v15;
	v18 =	vld.idx.msk [tilespmem:v18+s29+$0x0], $0xffff  }
0x11c: {  	v20 =	vor.u32 v4, v63;
	v63 =	vadd.s32 v37, v0;
	v15 =	vadd.s32 v33, v48;
	v13 =	vld.idx.msk [tilespmem:v13+s29+$0x0], $0xffff  }
0x11d: {  	v7 =	vor.u32 v43, v22;
	[tilespmem:s11+$0x10180] =	vst v62;
	v9 =	vld.idx.msk [tilespmem:v19+s29+$0x0], $0xffff;
	v15 =	vor.u32 v49, v15  }
0x11e: {  	v20 =	vor.u32 v34, v20;
	v22 =	vadd.s32 v37, v1;
	v14 =	vor.u32 v43, v15;
	[tilespmem:s31+$0xFD90] =	vst v6  }
0x11f: {  	v8 =	vor.u32 v4, v22;
	s11 =	smov.u32 s30;
	v19 =	vadd.s32 v35, v2;
	v15 =	vor.u32 v5, v23;
	[tilespmem:s1+$0xFD90] =	vst v16  }
0x120: {  	v62 =	vadd.s32 v30, v0;
	v19 =	vor.u32 v3, v19;
	v15 =	vor.u32 v34, v15;
	[tilespmem:s11+$0xFDA0] =	vst v18  }
0x121: {  	v19 =	vor.u32 v34, v19;
	[tilespmem:s0+$0x30] =	vst v13;
	v13 =	vor.u32 v5, v63;
	v63 =	vadd.s32 v37, v2  }
0x122: {  	[tilespmem:s13+$0xFDA0] =	vst v9;
	v6 =	vor.u32 v3, v63;
	v9 =	vadd.s32 v35, v48;
	v63 =	vld.idx.msk [tilespmem:v10+s29+$0x0], $0xffff  }
0x123: {  	v18 =	vadd.s32 v30, v1;
	v13 =	vor.u32 v36, v13;
	v14 =	vld.idx.msk [tilespmem:v14+s29+$0x0], $0xffff;
	v9 =	vor.u32 v49, v9  }
0x124: {  	v22 =	vor.u32 v36, v6;
	v6 =	vld.idx.msk [tilespmem:v21+s29+$0x0], $0xffff;
	v16 =	vor.u32 v34, v9;
	v9 =	vadd.s32 v28, v0  }
0x125: {  	v11 =	vld.idx.msk [tilespmem:v11+s29+$0x0], $0xffff;
	v21 =	vor.u32 v36, v8;
	v8 =	vor.u32 v5, v9;
	v9 =	vadd.s32 v28, v2  }
0x126: {  	v10 =	vadd.s32 v28, v1;
	[tilespmem:s7+$0x10180] =	vst v17;
	s7 =	smov.u32 s31;
	v17 =	vor.u32 v38, v8;
	v8 =	vor.u32 v3, v9  }
0x127: {  	v9 =	vor.u32 v4, v10;
	v10 =	vor.u32 v38, v8;
	[tilespmem:s7+$0xFDA0] =	vst v63;
	v63 =	vadd.s32 v37, v48  }
0x128: {  	v8 =	vadd.s32 v30, v2;
	[tilespmem:s13+$0xFDB0] =	vst v14;
	v23 =	vld.idx.msk [tilespmem:v7+s29+$0x0], $0xffff;
	v7 =	vor.u32 v49, v63  }
0x129: {  	v63 =	vor.u32 v5, v62;
	[tilespmem:s1+$0xFDA0] =	vst v6;
	v6 =	vor.u32 v3, v8;
	v25 =	vld.idx.msk [tilespmem:v58+s29+$0x0], $0xffff  }
0x12a: {  	v62 =	vor.u32 v4, v18;
	v18 =	vadd.s32 v32, v2;
	v58 =	vadd.s32 v28, v48;
	v14 =	vld.idx.msk [tilespmem:v16+s29+$0x0], $0xffff  }
0x12b: {  	v24 =	vor.u32 v36, v7;
	v7 =	vor.u32 v29, v63;
	v12 =	vld.idx.msk [tilespmem:v12+s29+$0x0], $0xffff;
	v63 =	vadd.s32 v32, v0  }
0x12c: {  	v8 =	vor.u32 v29, v6;
	v6 =	vor.u32 v29, v62;
	[tilespmem:s16+$0x10180] =	vst v61;
	v61 =	vadd.s32 v32, v1  }
0x12d: {  	[tilespmem:s11+$0xFDB0] =	vst v11;
	v62 =	vor.u32 v3, v18;
	v11 =	vor.u32 v49, v58;
	v18 =	vor.u32 v4, v61  }
0x12e: {  	v16 =	vor.u32 v5, v63;
	v61 =	vor.u32 v45, v18;
	v18 =	vld.idx.msk [tilespmem:v19+s29+$0x0], $0xffff;
	[tilespmem:s7+$0xFDB0] =	vst v23  }
0x12f: {  	s16 =	smov.u32 s1;
	v62 =	vor.u32 v45, v62;
	v11 =	vor.u32 v38, v11;
	[tilespmem:s13+$0xFDC0] =	vst v14;
	v15 =	vld.idx.msk [tilespmem:v15+s29+$0x0], $0xffff  }
0x130: {  	v63 =	vor.u32 v45, v16;
	v23 =	vadd.s32 v47, v0;
	[tilespmem:s16+$0xFDB0] =	vst v12;
	v14 =	vld.idx.msk [tilespmem:v24+s29+$0x0], $0xffff  }
0x131: {  	v45 =	vadd.s32 v47, v2;
	v47 =	vadd.s32 v47, v1;
	v12 =	vor.u32 v5, v23;
	v19 =	vld.idx.msk [tilespmem:v20+s29+$0x0], $0xffff  }
0x132: {  	v58 =	vor.u32 v46, v12;
	v12 =	vor.u32 v3, v45;
	v45 =	vor.u32 v4, v47;
	v20 =	vld.idx.msk [tilespmem:v54+s29+$0x0], $0xffff  }
0x133: {  	v47 =	vadd.s32 v51, v0;
	v24 =	vadd.s32 v51, v1;
	v54 =	vor.u32 v46, v12;
	v12 =	vld.idx.msk [tilespmem:v53+s29+$0x0], $0xffff  }
0x134: {  	v53 =	vor.u32 v46, v45;
	v46 =	vadd.s32 v51, v2;
	v51 =	vmov v52;
	v52 =	vld [tilespmem:$0x1FBD0];
	[tilespmem:s11+$0xFDC0] =	vst v18  }
0x135: {  	v0 =	vadd.s32 v44, v0;
	v22 =	vld.idx.msk [tilespmem:v22+s29+$0x0], $0xffff;
	[tilespmem:s7+$0xFDC0] =	vst v15  }
0x136: {  	v45 =	vor.u32 v5, v47;
	v47 =	vor.u32 v4, v24;
	[tilespmem:s13+$0xFDD0] =	vst v14;
	v13 =	vld.idx.msk [tilespmem:v13+s29+$0x0], $0xffff  }
0x137: {  	v16 =	vor.u32 v50, v45;
	v14 =	vor.u32 v3, v46;
	v15 =	vld.idx.msk [tilespmem:v11+s29+$0x0], $0xffff;
	v11 =	vadd.s32 v30, v48  }
0x138: {  	s6 =	sadd.s32 $0x4, s6;
	v18 =	vor.u32 v50, v47;
	[tilespmem:s8+$0x10] =	vst v25;
	v14 =	vor.u32 v50, v14;
	v50 =	vld [tilespmem:$0x1FBE0];
	v11 =	vor.u32 v49, v11  }
0x139: {  	p0 =	slt.u32 s6, $0x34;
	v46 =	vadd.s32 v44, v2;
	[tilespmem:s9+$0x10] =	vst v20;
	v2 =	vld.idx.msk [tilespmem:v55+s29+$0x0], $0xffff;
	v45 =	vor.u32 v29, v11  }
.Ltmp0:
0x13a: {  	v47 =	vor.u32 v5, v0;
	[tilespmem:s16+$0xFDC0] =	vst v19;
	v5 =	vld.idx.msk [tilespmem:v57+s29+$0x0], $0xffff;
	(pc) =	sbr.rel @p0 .LBB2_3-.Ltmp0, $4  }
0x13b: {  	v9 =	vor.u32 v38, v9;
	v0 =	vadd.s32 v44, v1;
	v11 =	vld.idx.msk [tilespmem:v21+s29+$0x0], $0xffff;
	[tilespmem:s10+$0x10] =	vst v12  }
0x13c: {  	v4 =	vor.u32 v4, v0;
	v1 =	vor.u32 v42, v47;
	v55 =	vmov v16;
	v0 =	vld.idx.msk [tilespmem:v56+s29+$0x0], $0xffff;
	[tilespmem:s7+$0xFDD0] =	vst v13  }
0x13d: {  	v3 =	vor.u32 v3, v46;
	v57 =	vmov v14;
	v14 =	vadd.s32 v32, v48;
	[tilespmem:s13+$0xFDE0] =	vst v15;
	v13 =	vld.idx.msk [tilespmem:v17+s29+$0x0], $0xffff  }
0x13e: {  	s22 =	sadd.s32 $0x10180, s31;
	s15 =	sadd.s32 $0x10180, s30;
	s3 =	sadd.s32 $0x10180, s1;
	[tilespmem:s11+$0xFDD0] =	vst v22;
	v3 =	vor.u32 v42, v3;
	v14 =	vor.u32 v49, v14;
	v56 =	vmov v18;
	v12 =	vld.idx.msk [tilespmem:v45+s29+$0x0], $0xffff  }
0x13f: {  	_ =	sdelay $0x3  }
0x140: {  	v10 =	vld.idx.msk [tilespmem:v10+s29+$0x0], $0xffff;
	_ =	sdelay $0x2  }
0x141: {  	[tilespmem:s16+$0xFDD0] =	vst v11  }
0x142: {  	v9 =	vld.idx.msk [tilespmem:v9+s29+$0x0], $0xffff;
	[tilespmem:s7+$0xFDE0] =	vst v13  }
0x143: {  	v7 =	vld.idx.msk [tilespmem:v7+s29+$0x0], $0xffff;
	[tilespmem:s11+$0xFDE0] =	vst v10  }
0x144: {  	v10 =	vld [tilespmem:$0x1FD00]  }
0x145: {  	v8 =	vld.idx.msk [tilespmem:v8+s29+$0x0], $0xffff;
	_ =	sdelay $0x1  }
0x146: {  	[tilespmem:s13+$0xFDF0] =	vst v12  }
0x147: {  	[tilespmem:s16+$0xFDE0] =	vst v9  }
0x148: {  	v9 =	vld [tilespmem:$0x1FD20];
	[tilespmem:s7+$0xFDF0] =	vst v7  }
0x149: {  	v10 =	vor.u32 v10, v14;
	[tilespmem:s11+$0xFDF0] =	vst v8  }
0x14a: {  	v8 =	vld [tilespmem:$0x1FD10]  }
0x14b: {  	v6 =	vld.idx.msk [tilespmem:v6+s29+$0x0], $0xffff;
	_ =	sdelay $0x1  }
0x14c: {  	v9 =	vadd.s32 v9, v48  }
0x14d: {  	v9 =	vor.u32 v49, v9;
	v7 =	vld.idx.msk [tilespmem:v10+s29+$0x0], $0xffff  }
0x14e: {  	v8 =	vor.u32 v8, v9;
	v9 =	vld.idx.msk [tilespmem:v63+s29+$0x0], $0xffff  }
0x14f: {  	[tilespmem:s16+$0xFDF0] =	vst v6;
	v6 =	vld.idx.msk [tilespmem:v62+s29+$0x0], $0xffff;
	_ =	sdelay $0x2  }
0x150: {  	[tilespmem:s13+$0x10180] =	vst v7  }
0x151: {  	v7 =	vld [tilespmem:$0x1FD40];
	[tilespmem:s7+$0x10180] =	vst v9  }
0x152: {  	v10 =	vld.idx.msk [tilespmem:v61+s29+$0x0], $0xffff;
	[tilespmem:s11+$0x10180] =	vst v6  }
0x153: {  	v47 =	vld [tilespmem:$0x1FD30];
	_ =	sdelay $0x2  }
0x154: {  	v8 =	vld.idx.msk [tilespmem:v8+s29+$0x0], $0xffff;
	v7 =	vadd.s32 v7, v48  }
0x155: {  	v7 =	vor.u32 v49, v7  }
0x156: {  	[tilespmem:s16+$0x10180] =	vst v10;
	v6 =	vor.u32 v47, v7;
	v7 =	vld.idx.msk [tilespmem:v58+s29+$0x0], $0xffff  }
0x157: {  	[tilespmem:s8+$0x20] =	vst v2  }
0x158: {  	s0 =	sadd.s32 $0x10180, s13;
	[tilespmem:s9+$0x20] =	vst v5  }
0x159: {  	v9 =	vld.idx.msk [tilespmem:v54+s29+$0x0], $0xffff;
	[tilespmem:s0+$0x10] =	vst v8  }
0x15a: {  	v8 =	vld [tilespmem:$0x1FFF0]  }
0x15b: {  	v2 =	vld.idx.msk [tilespmem:v53+s29+$0x0], $0xffff;
	[tilespmem:s22+$0x10] =	vst v7  }
0x15c: {  	v10 =	vld [tilespmem:$0x1FD50];
	_ =	sdelay $0x1  }
0x15d: {  	v5 =	vld.idx.msk [tilespmem:v52+s29+$0x0], $0xffff;
	[tilespmem:s15+$0x10] =	vst v9  }
0x15e: {  	v8 =	vadd.s32 v8, v48;
	v9 =	vld.idx.msk [tilespmem:v57+s29+$0x0], $0xffff  }
0x15f: {  	v6 =	vld.idx.msk [tilespmem:v6+s29+$0x0], $0xffff;
	v8 =	vor.u32 v49, v8;
	[tilespmem:s3+$0x10] =	vst v2  }
0x160: {  	[tilespmem:s10+$0x20] =	vst v0;
	v0 =	vld.idx.msk [tilespmem:v56+s29+$0x0], $0xffff;
	v7 =	vor.u32 v10, v8  }
0x161: {  	v8 =	vld.idx.msk [tilespmem:v55+s29+$0x0], $0xffff;
	v2 =	vor.u32 v10, v4  }
0x162: {  	[tilespmem:s8+$0x30] =	vst v5;
	v5 =	vld.idx.msk [tilespmem:v51+s29+$0x0], $0xffff  }
0x163: {  	v4 =	vld.idx.msk [tilespmem:v50+s29+$0x0], $0xffff;
	[tilespmem:s15+$0x20] =	vst v9  }
0x164: {  	[tilespmem:s0+$0x20] =	vst v6;
	v3 =	vld.idx.msk [tilespmem:v3+s29+$0x0], $0xffff  }
0x165: {  	[tilespmem:s3+$0x20] =	vst v0;
	v6 =	vld.idx.msk [tilespmem:v7+s29+$0x0], $0xffff  }
0x166: {  	[tilespmem:s22+$0x20] =	vst v8;
	v2 =	vld.idx.msk [tilespmem:v2+s29+$0x0], $0xffff  }
0x167: {  	v1 =	vld.idx.msk [tilespmem:v1+s29+$0x0], $0xffff  }
0x168: {  	v40 =	vld [tilespmem:$0x1FF10]  }
0x169: {  	v23 =	vld [tilespmem:$0x1FC50];
	[tilespmem:s9+$0x30] =	vst v4  }
0x16a: {  	v24 =	vld [tilespmem:$0x1FC60];
	[tilespmem:s10+$0x30] =	vst v5  }
0x16b: {  	v39 =	vld [tilespmem:$0x1FF00];
	_ =	sdelay $0x1  }
0x16c: {  	[tilespmem:s15+$0x30] =	vst v3  }
0x16d: {  	[tilespmem:s0+$0x30] =	vst v6;
	v0 =	vadd.s32 v40, v23  }
0x16e: {  	[tilespmem:s3+$0x30] =	vst v2;
	v0 =	vor.u32 v24, v0  }
0x16f: {  	[tilespmem:s22+$0x30] =	vst v1;
	v0 =	vor.u32 v39, v0  }
0x170: {  	v43 =	vld [tilespmem:$0x1FF30]  }
0x171: {  	v21 =	vld [tilespmem:$0x1FBF0]  }
0x172: {  	v41 =	vld [tilespmem:$0x1FF20]  }
0x173: {  	v35 =	vld [tilespmem:$0x1FC10]  }
0x174: {  	v0 =	vld.idx.msk [tilespmem:v0+s12+$0x0], $0xffff;
	_ =	sdelay $0x1  }
0x175: {  	v19 =	vld [tilespmem:$0x1FC00];
	v1 =	vadd.s32 v43, v23  }
0x176: {  	v22 =	vld [tilespmem:$0x1FC30];
	v1 =	vor.u32 v24, v1  }
0x177: {  	v20 =	vld [tilespmem:$0x1FC20];
	v2 =	vadd.s32 v40, v21;
	v1 =	vor.u32 v41, v1  }
0x178: {  	v25 =	vld [tilespmem:$0x1FC40];
	v2 =	vor.u32 v35, v2;
	[tilespmem:s4+$0x40] =	vst v0  }
0x179: {  	v2 =	vor.u32 v39, v2;
	v27 =	vld [tilespmem:$0x1FD70]  }
0x17a: {  	v3 =	vadd.s32 v40, v19  }
0x17b: {  	v3 =	vor.u32 v22, v3;
	v26 =	vld [tilespmem:$0x1FD60]  }
0x17c: {  	v4 =	vadd.s32 v40, v20;
	v3 =	vor.u32 v39, v3;
	v1 =	vld.idx.msk [tilespmem:v1+s12+$0x0], $0xffff  }
0x17d: {  	v4 =	vor.u32 v25, v4  }
0x17e: {  	v4 =	vor.u32 v39, v4;
	v2 =	vld.idx.msk [tilespmem:v2+s12+$0x0], $0xffff;
	v0 =	vadd.s32 v27, v23  }
0x17f: {  	v0 =	vor.u32 v24, v0  }
0x180: {  	v5 =	vadd.s32 v43, v21;
	v0 =	vor.u32 v26, v0  }
0x181: {  	v5 =	vor.u32 v35, v5;
	v3 =	vld.idx.msk [tilespmem:v3+s12+$0x0], $0xffff;
	[tilespmem:s4+$0x50] =	vst v1  }
0x182: {  	v5 =	vor.u32 v41, v5;
	v29 =	vld [tilespmem:$0x1FD90]  }
0x183: {  	v6 =	vadd.s32 v43, v19;
	v4 =	vld.idx.msk [tilespmem:v4+s12+$0x0], $0xffff;
	[tilespmem:s2+$0x40] =	vst v2  }
0x184: {  	v6 =	vor.u32 v22, v6;
	v28 =	vld [tilespmem:$0x1FD80]  }
0x185: {  	v7 =	vadd.s32 v43, v20;
	v6 =	vor.u32 v41, v6;
	v0 =	vld.idx.msk [tilespmem:v0+s12+$0x0], $0xffff  }
0x186: {  	v7 =	vor.u32 v25, v7  }
0x187: {  	v7 =	vor.u32 v41, v7;
	v5 =	vld.idx.msk [tilespmem:v5+s12+$0x0], $0xffff;
	v1 =	vadd.s32 v29, v23  }
0x188: {  	v8 =	vadd.s32 v27, v21;
	[tilespmem:s5+$0x40] =	vst v3;
	v1 =	vor.u32 v24, v1  }
0x189: {  	v8 =	vor.u32 v35, v8;
	[tilespmem:s17+$0x40] =	vst v4;
	v1 =	vor.u32 v28, v1  }
0x18a: {  	v8 =	vor.u32 v26, v8;
	v6 =	vld.idx.msk [tilespmem:v6+s12+$0x0], $0xffff;
	[tilespmem:s4+$0x60] =	vst v0  }
0x18b: {  	v9 =	vadd.s32 v27, v19;
	v32 =	vld [tilespmem:$0x1FDB0]  }
0x18c: {  	v2 =	vor.u32 v22, v9;
	v7 =	vld.idx.msk [tilespmem:v7+s12+$0x0], $0xffff;
	[tilespmem:s2+$0x50] =	vst v5  }
0x18d: {  	v10 =	vadd.s32 v27, v20;
	v2 =	vor.u32 v26, v2;
	v30 =	vld [tilespmem:$0x1FDA0]  }
0x18e: {  	v3 =	vor.u32 v25, v10;
	v1 =	vld.idx.msk [tilespmem:v1+s12+$0x0], $0xffff  }
0x18f: {  	v3 =	vor.u32 v26, v3;
	v8 =	vld.idx.msk [tilespmem:v8+s12+$0x0], $0xffff  }
0x190: {  	v0 =	vadd.s32 v32, v23  }
0x191: {  	[tilespmem:s5+$0x50] =	vst v6;
	v0 =	vor.u32 v24, v0  }
0x192: {  	v4 =	vadd.s32 v29, v21;
	[tilespmem:s17+$0x50] =	vst v7;
	v2 =	vld.idx.msk [tilespmem:v2+s12+$0x0], $0xffff;
	v0 =	vor.u32 v30, v0  }
0x193: {  	v9 =	vadd.s32 v29, v19;
	v4 =	vor.u32 v35, v4;
	v44 =	vld [tilespmem:$0x1FF50];
	[tilespmem:s4+$0x70] =	vst v1  }
0x194: {  	v9 =	vor.u32 v22, v9;
	v4 =	vor.u32 v28, v4;
	v3 =	vld.idx.msk [tilespmem:v3+s12+$0x0], $0xffff;
	[tilespmem:s2+$0x60] =	vst v8  }
0x195: {  	v10 =	vadd.s32 v29, v20;
	v9 =	vor.u32 v28, v9;
	v42 =	vld [tilespmem:$0x1FF40]  }
0x196: {  	v10 =	vor.u32 v25, v10  }
0x197: {  	v5 =	vor.u32 v28, v10;
	v0 =	vld.idx.msk [tilespmem:v0+s12+$0x0], $0xffff  }
0x198: {  	v1 =	vadd.s32 v44, v23  }
0x199: {  	v4 =	vld.idx.msk [tilespmem:v4+s12+$0x0], $0xffff;
	[tilespmem:s5+$0x60] =	vst v2;
	v1 =	vor.u32 v24, v1  }
0x19a: {  	v10 =	vadd.s32 v32, v21;
	[tilespmem:s17+$0x60] =	vst v3;
	v9 =	vld.idx.msk [tilespmem:v9+s12+$0x0], $0xffff;
	v1 =	vor.u32 v42, v1  }
0x19b: {  	v6 =	vor.u32 v35, v10;
	v10 =	vadd.s32 v32, v19;
	v46 =	vld [tilespmem:$0x1FF70]  }
0x19c: {  	v6 =	vor.u32 v30, v6;
	v10 =	vor.u32 v22, v10;
	v5 =	vld.idx.msk [tilespmem:v5+s12+$0x0], $0xffff;
	[tilespmem:s24+$0x10580] =	vst v0  }
0x19d: {  	v10 =	vor.u32 v30, v10;
	v45 =	vld [tilespmem:$0x1FF60]  }
0x19e: {  	v7 =	vadd.s32 v32, v20  }
0x19f: {  	v7 =	vor.u32 v25, v7;
	v1 =	vld.idx.msk [tilespmem:v1+s12+$0x0], $0xffff;
	[tilespmem:s2+$0x70] =	vst v4  }
0x1a0: {  	v11 =	vadd.s32 v44, v21;
	v7 =	vor.u32 v30, v7;
	v0 =	vadd.s32 v46, v23;
	v63 =	vld [tilespmem:$0x1FF90]  }
0x1a1: {  	v8 =	vadd.s32 v44, v20;
	v0 =	vor.u32 v24, v0;
	v6 =	vld.idx.msk [tilespmem:v6+s12+$0x0], $0xffff;
	[tilespmem:s5+$0x70] =	vst v9  }
0x1a2: {  	v11 =	vor.u32 v35, v11;
	[tilespmem:s17+$0x70] =	vst v5;
	v9 =	vld.idx.msk [tilespmem:v10+s12+$0x0], $0xffff;
	v0 =	vor.u32 v45, v0  }
0x1a3: {  	v12 =	vadd.s32 v44, v19;
	v2 =	vor.u32 v25, v8;
	v8 =	vor.u32 v42, v11;
	v47 =	vld [tilespmem:$0x1FF80]  }
0x1a4: {  	s11 =	sadd.s32 $0x10580, s24;
	v12 =	vor.u32 v22, v12  }
0x1a5: {  	v11 =	vor.u32 v42, v12;
	v7 =	vld.idx.msk [tilespmem:v7+s12+$0x0], $0xffff;
	[tilespmem:s11+$0x10] =	vst v1  }
0x1a6: {  	v1 =	vadd.s32 v63, v23;
	v34 =	vld [tilespmem:$0x1FDD0]  }
0x1a7: {  	v2 =	vor.u32 v42, v2;
	[tilespmem:s25+$0x10580] =	vst v6;
	v1 =	vor.u32 v24, v1;
	v0 =	vld.idx.msk [tilespmem:v0+s12+$0x0], $0xffff  }
0x1a8: {  	v3 =	vadd.s32 v46, v21;
	v8 =	vld.idx.msk [tilespmem:v8+s12+$0x0], $0xffff;
	[tilespmem:s26+$0x10580] =	vst v9;
	v1 =	vor.u32 v47, v1  }
0x1a9: {  	v12 =	vadd.s32 v46, v19;
	v13 =	vadd.s32 v46, v20;
	v3 =	vor.u32 v35, v3;
	v38 =	vld [tilespmem:$0x1FDC0]  }
0x1aa: {  	v12 =	vor.u32 v22, v12;
	v13 =	vor.u32 v25, v13;
	v11 =	vld.idx.msk [tilespmem:v11+s12+$0x0], $0xffff;
	[tilespmem:s28+$0x10580] =	vst v7  }
0x1ab: {  	v3 =	vor.u32 v45, v3;
	v12 =	vor.u32 v45, v12;
	v13 =	vor.u32 v45, v13;
	v36 =	vld [tilespmem:$0x1FFB0]  }
0x1ac: {  	v4 =	vadd.s32 v63, v21;
	v5 =	vadd.s32 v63, v19;
	v2 =	vld.idx.msk [tilespmem:v2+s12+$0x0], $0xffff;
	[tilespmem:s11+$0x20] =	vst v0  }
0x1ad: {  	v10 =	vadd.s32 v63, v20;
	s25 =	sadd.s32 $0x10580, s25;
	v4 =	vor.u32 v35, v4;
	v5 =	vor.u32 v22, v5;
	v18 =	vld.idx.msk [tilespmem:v1+s12+$0x0], $0xffff  }
0x1ae: {  	v10 =	vor.u32 v25, v10;
	v4 =	vor.u32 v47, v4;
	v5 =	vor.u32 v47, v5;
	v33 =	vld [tilespmem:$0x1FFA0];
	[tilespmem:s25+$0x10] =	vst v8  }
0x1af: {  	s4 =	sadd.s32 $0x10580, s26;
	v10 =	vor.u32 v47, v10;
	v14 =	vadd.s32 v34, v21;
	v0 =	vadd.s32 v34, v23;
	v31 =	vld [tilespmem:$0x1FFD0]  }
0x1b0: {  	s24 =	sadd.s32 $0x10580, s28;
	v16 =	vadd.s32 v36, v19;
	v0 =	vor.u32 v24, v0;
	v3 =	vld.idx.msk [tilespmem:v3+s12+$0x0], $0xffff;
	[tilespmem:s4+$0x10] =	vst v11  }
0x1b1: {  	v1 =	vor.u32 v22, v16;
	v16 =	vor.u32 v38, v0;
	[tilespmem:s24+$0x10] =	vst v2;
	v11 =	vld.idx.msk [tilespmem:v12+s12+$0x0], $0xffff  }
0x1b2: {  	v6 =	vadd.s32 v34, v19;
	v15 =	vadd.s32 v34, v20;
	v14 =	vor.u32 v35, v14;
	v12 =	vld.idx.msk [tilespmem:v13+s12+$0x0], $0xffff  }
0x1b3: {  	v6 =	vor.u32 v22, v6;
	v7 =	vor.u32 v25, v15;
	v14 =	vor.u32 v38, v14  }
0x1b4: {  	v15 =	vor.u32 v38, v6;
	v9 =	vor.u32 v38, v7;
	v6 =	vadd.s32 v36, v21;
	[tilespmem:s11+$0x30] =	vst v18  }
0x1b5: {  	v17 =	vadd.s32 v36, v20;
	v57 =	vadd.s32 v36, v23;
	v13 =	vadd.s32 v40, v59;
	v37 =	vld [tilespmem:$0x1FFE0];
	[tilespmem:s25+$0x20] =	vst v3  }
0x1b6: {  	v6 =	vor.u32 v35, v6;
	v13 =	vor.u32 v60, v13;
	v16 =	vld.idx.msk [tilespmem:v16+s12+$0x0], $0xffff;
	[tilespmem:s4+$0x20] =	vst v11  }
0x1b7: {  	v0 =	vor.u32 v25, v17;
	v13 =	vor.u32 v39, v13;
	[tilespmem:s24+$0x20] =	vst v12;
	v61 =	vld.idx.msk [tilespmem:v5+s12+$0x0], $0xffff  }
0x1b8: {  	v7 =	vor.u32 v33, v6;
	v8 =	vor.u32 v33, v1;
	v6 =	vor.u32 v33, v0;
	v49 =	vld [tilespmem:$0x1FC90]  }
0x1b9: {  	v18 =	vor.u32 v24, v57;
	v17 =	vadd.s32 v31, v21;
	v1 =	vadd.s32 v31, v19;
	v52 =	vld [tilespmem:$0x1FCA0]  }
0x1ba: {  	v2 =	vadd.s32 v31, v20;
	v0 =	vor.u32 v35, v17;
	v51 =	vld [tilespmem:$0x1FCD0];
	v17 =	vadd.s32 v37, v21  }
0x1bb: {  	v48 =	vadd.s32 v31, v23;
	[tilespmem:s11+$0x40] =	vst v16;
	v3 =	vor.u32 v35, v17;
	v17 =	vld.idx.msk [tilespmem:v4+s12+$0x0], $0xffff  }
0x1bc: {  	v50 =	vor.u32 v22, v1;
	v2 =	vor.u32 v25, v2;
	v11 =	vor.u32 v33, v18;
	v53 =	vld [tilespmem:$0x1FCC0]  }
0x1bd: {  	v19 =	vadd.s32 v37, v19;
	v58 =	vadd.s32 v37, v20;
	v16 =	vadd.s32 v43, v59;
	v55 =	vld [tilespmem:$0x1FCF0]  }
0x1be: {  	v21 =	vor.u32 v24, v48;
	v48 =	vadd.s32 v37, v23;
	v4 =	vor.u32 v22, v19;
	v54 =	vld [tilespmem:$0x1FCE0]  }
0x1bf: {  	v10 =	vld.idx.msk [tilespmem:v10+s12+$0x0], $0xffff;
	v5 =	vor.u32 v25, v58;
	v16 =	vor.u32 v60, v16;
	v22 =	vor.u32 v24, v48  }
0x1c0: {  	v13 =	vld.idx.msk [tilespmem:v13+s12+$0x0], $0xffff;
	v12 =	vadd.s32 v40, v49;
	v62 =	vadd.s32 v40, v52;
	v35 =	vadd.s32 v40, v51  }
0x1c1: {  	v16 =	vor.u32 v41, v16;
	v56 =	vadd.s32 v43, v49;
	v57 =	vadd.s32 v43, v52;
	[tilespmem:s25+$0x30] =	vst v17  }
0x1c2: {  	s13 =	simm.s32 $0x380;
	v58 =	vadd.s32 v43, v51;
	v12 =	vor.u32 v53, v12;
	v20 =	vor.u32 v55, v35;
	v35 =	vld [tilespmem:$0x1FFC0];
	[tilespmem:s4+$0x30] =	vst v61  }
0x1c3: {  	s14 =	sand.u32 $0x380, s13;
	v11 =	vld.idx.msk [tilespmem:v11+s12+$0x0], $0xffff;
	v24 =	vadd.s32 v27, v51;
	v18 =	vor.u32 v54, v62;
	v12 =	vor.u32 v39, v12;
	s1 =	rddreg [dreg:$0xc]  }
0x1c4: {  	v48 =	vadd.s32 v32, v52;
	v25 =	vadd.s32 v34, v51;
	v18 =	vor.u32 v39, v18;
	s15 =	sor.u32 s14, s1  }
0x1c5: {  	v62 =	vor.u32 v55, v58;
	v24 =	vor.u32 v55, v24;
	v58 =	vadd.s32 v29, v51;
	s0 =	sadd.s32 $0x10180, s15  }
0x1c6: {  	v25 =	vor.u32 v55, v25;
	v20 =	vor.u32 v39, v20;
	v14 =	vld.idx.msk [tilespmem:v14+s12+$0x0], $0xffff;
	[tilespmem:s0+$0x40] =	vst v13  }
0x1c7: {  	v61 =	vor.u32 v54, v57;
	v57 =	vadd.s32 v29, v52;
	[tilespmem:s24+$0x30] =	vst v10;
	v16 =	vld.idx.msk [tilespmem:v16+s12+$0x0], $0xffff  }
0x1c8: {  	v24 =	vor.u32 v26, v24;
	[tilespmem:s11+$0x50] =	vst v11;
	v13 =	vadd.s32 v27, v59;
	v11 =	vld.idx.msk [tilespmem:v12+s12+$0x0], $0xffff  }
0x1c9: {  	s16 =	simm.s32 $0x200;
	v10 =	vor.u32 v53, v56;
	v17 =	vor.u32 v35, v21;
	v13 =	vor.u32 v60, v13;
	v18 =	vld.idx.msk [tilespmem:v18+s12+$0x0], $0xffff  }
0x1ca: {  	s17 =	simm.s32 $0x280;
	v19 =	vor.u32 v41, v61;
	v56 =	vadd.s32 v27, v52;
	v15 =	vld.idx.msk [tilespmem:v15+s12+$0x0], $0xffff;
	s1 =	sand.u32 $0x200, s16;
	s5 =	rddreg [dreg:$0xd];
	v12 =	vor.u32 v26, v13  }
0x1cb: {  	s3 =	sand.u32 $0x280, s17;
	v10 =	vor.u32 v41, v10;
	v23 =	vor.u32 v54, v56;
	v56 =	vadd.s32 v32, v51;
	v1 =	vld [tilespmem:$0x1FDE0];
	s23 =	rddreg [dreg:$0xe];
	s6 =	sor.u32 s1, s5  }
0x1cc: {  	v9 =	vld.idx.msk [tilespmem:v9+s12+$0x0], $0xffff;
	v23 =	vor.u32 v26, v23;
	v21 =	vor.u32 v41, v62;
	s26 =	sor.u32 s3, s23;
	s30 =	sadd.s32 $0x10180, s6;
	[tilespmem:s0+$0x50] =	vst v16  }
0x1cd: {  	v20 =	vld.idx.msk [tilespmem:v20+s12+$0x0], $0xffff;
	v62 =	vadd.s32 v32, v49;
	v0 =	vor.u32 v35, v0;
	s31 =	sadd.s32 $0x10180, s26;
	s9 =	rddreg [dreg:$0xf];
	[tilespmem:s30+$0x40] =	vst v11  }
0x1ce: {  	s22 =	simm.s32 $0x300;
	v2 =	vor.u32 v35, v2;
	v13 =	vadd.s32 v27, v49;
	v17 =	vld.idx.msk [tilespmem:v17+s12+$0x0], $0xffff;
	[tilespmem:s31+$0x40] =	vst v18  }
0x1cf: {  	s28 =	sand.u32 $0x300, s22;
	v13 =	vor.u32 v53, v13;
	v16 =	vadd.s32 v29, v59;
	v11 =	vld.idx.msk [tilespmem:v12+s12+$0x0], $0xffff;
	[tilespmem:s25+$0x40] =	vst v14  }
0x1d0: {  	v22 =	vor.u32 v1, v22;
	v12 =	vor.u32 v60, v16;
	[tilespmem:s4+$0x40] =	vst v15;
	s3 =	sor.u32 s28, s9;
	v10 =	vld.idx.msk [tilespmem:v10+s12+$0x0], $0xffff  }
0x1d1: {  	v13 =	vor.u32 v26, v13;
	[tilespmem:s24+$0x40] =	vst v9;
	v12 =	vor.u32 v28, v12;
	v19 =	vld.idx.msk [tilespmem:v19+s12+$0x0], $0xffff;
	s9 =	sadd.s32 $0x10180, s3  }
0x1d2: {  	v16 =	vadd.s32 v29, v49;
	v18 =	vor.u32 v54, v57;
	v7 =	vld.idx.msk [tilespmem:v7+s12+$0x0], $0xffff;
	[tilespmem:s9+$0x40] =	vst v20  }
0x1d3: {  	v57 =	vor.u32 v55, v56;
	v16 =	vor.u32 v53, v16;
	[tilespmem:s11+$0x60] =	vst v17;
	v17 =	vld.idx.msk [tilespmem:v21+s12+$0x0], $0xffff  }
0x1d4: {  	v18 =	vor.u32 v28, v18;
	v8 =	vld.idx.msk [tilespmem:v8+s12+$0x0], $0xffff;
	v16 =	vor.u32 v28, v16;
	[tilespmem:s0+$0x60] =	vst v11  }
0x1d5: {  	v20 =	vor.u32 v55, v58;
	v61 =	vld.idx.msk [tilespmem:v22+s12+$0x0], $0xffff;
	v11 =	vadd.s32 v32, v59;
	[tilespmem:s30+$0x50] =	vst v10  }
0x1d6: {  	v20 =	vor.u32 v28, v20;
	v10 =	vld.idx.msk [tilespmem:v12+s12+$0x0], $0xffff;
	v11 =	vor.u32 v60, v11;
	[tilespmem:s31+$0x50] =	vst v19  }
0x1d7: {  	v12 =	vor.u32 v53, v62;
	v19 =	vor.u32 v30, v57;
	[tilespmem:s25+$0x50] =	vst v7;
	v13 =	vld.idx.msk [tilespmem:v13+s12+$0x0], $0xffff  }
0x1d8: {  	v7 =	vadd.s32 v31, v51;
	v11 =	vor.u32 v30, v11;
	v23 =	vld.idx.msk [tilespmem:v23+s12+$0x0], $0xffff;
	[tilespmem:s9+$0x50] =	vst v17  }
0x1d9: {  	v12 =	vor.u32 v30, v12;
	v17 =	vor.u32 v54, v48;
	v48 =	vadd.s32 v46, v49;
	v58 =	vld.idx.msk [tilespmem:v24+s12+$0x0], $0xffff  }
0x1da: {  	v24 =	vadd.s32 v44, v49;
	v17 =	vor.u32 v30, v17;
	[tilespmem:s11+$0x70] =	vst v61;
	v15 =	vor.u32 v53, v48  }
0x1db: {  	v48 =	vadd.s32 v46, v59;
	v61 =	vor.u32 v53, v24;
	[tilespmem:s0+$0x70] =	vst v10;
	v10 =	vadd.s32 v44, v59  }
0x1dc: {  	v6 =	vld.idx.msk [tilespmem:v6+s12+$0x0], $0xffff;
	v24 =	vadd.s32 v44, v52;
	v22 =	vor.u32 v60, v48;
	v15 =	vor.u32 v45, v15  }
0x1dd: {  	[tilespmem:s30+$0x60] =	vst v13;
	v11 =	vld.idx.msk [tilespmem:v11+s12+$0x0], $0xffff;
	v10 =	vor.u32 v60, v10;
	v13 =	vadd.s32 v44, v51  }
0x1de: {  	[tilespmem:s31+$0x60] =	vst v23;
	v62 =	vor.u32 v54, v24;
	v16 =	vld.idx.msk [tilespmem:v16+s12+$0x0], $0xffff;
	v10 =	vor.u32 v42, v10  }
0x1df: {  	v21 =	vor.u32 v42, v61;
	v61 =	vadd.s32 v46, v51;
	v18 =	vld.idx.msk [tilespmem:v18+s12+$0x0], $0xffff;
	[tilespmem:s9+$0x60] =	vst v58  }
0x1e0: {  	v24 =	vadd.s32 v63, v51;
	v9 =	vor.u32 v45, v22;
	v13 =	vor.u32 v55, v13;
	v14 =	vld.idx.msk [tilespmem:v20+s12+$0x0], $0xffff  }
0x1e1: {  	[tilespmem:s4+$0x50] =	vst v8;
	v24 =	vor.u32 v55, v24;
	v56 =	vor.u32 v42, v13;
	v58 =	vadd.s32 v46, v52  }
0x1e2: {  	v20 =	vor.u32 v42, v62;
	v57 =	vor.u32 v54, v58;
	v58 =	vor.u32 v55, v61;
	[tilespmem:s15+$0x10580] =	vst v11  }
0x1e3: {  	v62 =	vadd.s32 v63, v49;
	v61 =	vadd.s32 v34, v52;
	[tilespmem:s30+$0x70] =	vst v16;
	v10 =	vld.idx.msk [tilespmem:v10+s12+$0x0], $0xffff  }
0x1e4: {  	v22 =	vor.u32 v54, v61;
	v11 =	vor.u32 v55, v7;
	[tilespmem:s31+$0x70] =	vst v18;
	v12 =	vld.idx.msk [tilespmem:v12+s12+$0x0], $0xffff  }
0x1e5: {  	v7 =	vadd.s32 v37, v51;
	v8 =	vor.u32 v45, v58;
	v17 =	vld.idx.msk [tilespmem:v17+s12+$0x0], $0xffff;
	[tilespmem:s9+$0x70] =	vst v14  }
0x1e6: {  	v16 =	vadd.s32 v63, v52;
	v18 =	vor.u32 v53, v62;
	v62 =	vadd.s32 v37, v52;
	v19 =	vld.idx.msk [tilespmem:v19+s12+$0x0], $0xffff  }
0x1e7: {  	[tilespmem:s24+$0x50] =	vst v6;
	s0 =	sadd.s32 $0x10580, s15;
	v58 =	vor.u32 v38, v22;
	v14 =	vor.u32 v54, v16;
	v16 =	vadd.s32 v34, v49  }
0x1e8: {  	v23 =	vor.u32 v54, v62;
	v16 =	vor.u32 v53, v16;
	[tilespmem:s0+$0x10] =	vst v10;
	v10 =	vadd.s32 v36, v49  }
0x1e9: {  	v6 =	vor.u32 v47, v14;
	v14 =	vadd.s32 v34, v59;
	[tilespmem:s6+$0x10580] =	vst v12;
	v48 =	vor.u32 v53, v10  }
0x1ea: {  	v10 =	vadd.s32 v36, v52;
	[tilespmem:s26+$0x10580] =	vst v17;
	v12 =	vadd.s32 v36, v51;
	v17 =	vadd.s32 v31, v49  }
0x1eb: {  	v21 =	vld.idx.msk [tilespmem:v21+s12+$0x0], $0xffff;
	[tilespmem:s3+$0x10580] =	vst v19;
	v19 =	vor.u32 v54, v10;
	v10 =	vadd.s32 v37, v49  }
0x1ec: {  	v9 =	vld.idx.msk [tilespmem:v9+s12+$0x0], $0xffff;
	v17 =	vor.u32 v53, v17;
	v13 =	vor.u32 v53, v10;
	v10 =	vadd.s32 v31, v52  }
0x1ed: {  	v61 =	vld.idx.msk [tilespmem:v0+s12+$0x0], $0xffff;
	v52 =	vor.u32 v1, v3;
	v3 =	vadd.s32 v63, v59;
	v53 =	vor.u32 v54, v10  }
0x1ee: {  	v20 =	vld.idx.msk [tilespmem:v20+s12+$0x0], $0xffff;
	v54 =	vor.u32 v55, v12;
	v10 =	vor.u32 v55, v7;
	v55 =	vor.u32 v35, v50  }
0x1ef: {  	s1 =	sadd.s32 $0x10580, s6;
	v0 =	vld.idx.msk [tilespmem:v2+s12+$0x0], $0xffff;
	v14 =	vor.u32 v60, v14;
	v51 =	vor.u32 v1, v4;
	v3 =	vor.u32 v60, v3  }
0x1f0: {  	v4 =	vor.u32 v38, v16;
	v48 =	vor.u32 v33, v48;
	[tilespmem:s1+$0x10] =	vst v21;
	v21 =	vor.u32 v47, v3  }
0x1f1: {  	v49 =	vor.u32 v38, v25;
	[tilespmem:s0+$0x20] =	vst v9;
	v50 =	vor.u32 v1, v5;
	v12 =	vld.idx.msk [tilespmem:v56+s12+$0x0], $0xffff  }
0x1f2: {  	s5 =	sadd.s32 $0x10580, s26;
	v9 =	vor.u32 v45, v57;
	v7 =	vor.u32 v47, v18;
	v2 =	vor.u32 v1, v13;
	v13 =	vld.idx.msk [tilespmem:v15+s12+$0x0], $0xffff  }
0x1f3: {  	v5 =	vor.u32 v47, v24;
	v57 =	vor.u32 v33, v19;
	[tilespmem:s5+$0x10] =	vst v20;
	v3 =	vld.idx.msk [tilespmem:v55+s12+$0x0], $0xffff  }
0x1f4: {  	v25 =	vmovc v38;
	v56 =	vor.u32 v33, v54;
	v54 =	vor.u32 v35, v53;
	v53 =	vor.u32 v35, v11;
	v38 =	vld [tilespmem:$0x1FFF0]  }
0x1f5: {  	s2 =	simm.s32 $0x4;
	s3 =	sadd.s32 $0x10580, s3;
	v15 =	vmov v1;
	v1 =	vor.u32 v1, v23;
	v55 =	vor.u32 v35, v17;
	v11 =	vld.idx.msk [tilespmem:v21+s12+$0x0], $0xffff  }
.LBB2_5:
0x1f6: {  	s6 =	sadd.s32 s2, s21;
	[tilespmem:s25+$0x60] =	vst v61  }
0x1f7: {  	v9 =	vld.idx.msk [tilespmem:v9+s12+$0x0], $0xffff;
	s8 =	sadd.s32 $0x4, s6;
	s9 =	sadd.s32 $0x5, s6;
	[tilespmem:s3+$0x10] =	vst v12  }
0x1f8: {  	v10 =	vor.u32 v15, v10;
	s7 =	sadd.s32 $0x7, s6;
	s6 =	sadd.s32 $0x6, s6;
	v16 =	vld.idx.msk [tilespmem:v52+s12+$0x0], $0xffff;
	v52 =	vmovc v2;
	v15 =	vmov s8;
	v2 =	vmov s9;
	[tilespmem:s4+$0x60] =	vst v3  }
0x1f9: {  	v12 =	vor.u32 v25, v14;
	v14 =	vld.idx.msk [tilespmem:v8+s12+$0x0], $0xffff;
	v8 =	vmov s7;
	v3 =	vmov s6;
	[tilespmem:s24+$0x60] =	vst v0  }
0x1fa: {  	v0 =	vshrl.u32 v15, $0x3;
	[tilespmem:s1+$0x20] =	vst v13;
	v13 =	vadd.s32 v36, v59;
	v17 =	vshrl.u32 v8, $0x3;
	v18 =	vld.idx.msk [tilespmem:v51+s12+$0x0], $0xffff  }
0x1fb: {  	[tilespmem:s0+$0x30] =	vst v11;
	v51 =	vmovc v1;
	v1 =	vshrl.u32 v2, $0x3;
	v11 =	vld.idx.msk [tilespmem:v50+s12+$0x0], $0xffff;
	v50 =	vmovc v10;
	v10 =	vshrl.u32 v3, $0x3;
	v8 =	vshll.u32 v8, $0x7  }
0x1fc: {  	[tilespmem:s5+$0x20] =	vst v9;
	v9 =	vor.u32 v60, v13;
	v61 =	vmul.u32 $0xC00, v0;
	v2 =	vshll.u32 v2, $0x7  }
0x1fd: {  	v17 =	vmul.u32 $0xC00, v17;
	v1 =	vmul.u32 $0xC00, v1;
	v0 =	vmul.u32 $0xC00, v10  }
0x1fe: {  	v7 =	vld.idx.msk [tilespmem:v7+s12+$0x0], $0xffff;
	v8 =	vand.u32 $0x380, v8;
	v9 =	vor.u32 v33, v9;
	[tilespmem:s25+$0x70] =	vst v16;
	v2 =	vand.u32 $0x280, v2  }
0x1ff: {  	v12 =	vld.idx.msk [tilespmem:v12+s12+$0x0], $0xffff;
	v19 =	vadd.s32 v40, v17;
	v16 =	vadd.s32 v40, v1;
	v21 =	vadd.s32 v40, v0  }
0x200: {  	v22 =	vadd.s32 v27, v0;
	v20 =	vadd.s32 v29, v1;
	v13 =	vor.u32 v8, v19;
	[tilespmem:s3+$0x20] =	vst v14  }
0x201: {  	v6 =	vld.idx.msk [tilespmem:v6+s12+$0x0], $0xffff;
	v14 =	vshll.u32 v3, $0x7;
	v10 =	vor.u32 v39, v13;
	v13 =	vshll.u32 v15, $0x7;
	[tilespmem:s4+$0x70] =	vst v18  }
0x202: {  	s25 =	smov.u32 s1;
	v20 =	vor.u32 v2, v20;
	v5 =	vld.idx.msk [tilespmem:v5+s12+$0x0], $0xffff;
	v15 =	vadd.s32 v40, v61;
	[tilespmem:s24+$0x70] =	vst v11;
	v3 =	vand.u32 $0x200, v13  }
0x203: {  	s13 =	sadd.s32 $0x200, s13;
	v62 =	vand.u32 $0x300, v14;
	[tilespmem:s25+$0x30] =	vst v7;
	v13 =	vadd.s32 v31, v59;
	v11 =	vor.u32 v3, v15  }
0x204: {  	v23 =	vld [tilespmem:$0x1FDE0];
	s14 =	sadd.s32 $0xFFFFFE80, s13;
	v14 =	vor.u32 v62, v21;
	v13 =	vor.u32 v60, v13;
	[tilespmem:s0+$0x40] =	vst v12;
	v11 =	vor.u32 v39, v11  }
0x205: {  	s15 =	sand.u32 $0x380, s13;
	s11 =	sshrl.u32 s7, $0x3;
	s4 =	smov.u32 s5;
	v12 =	vor.u32 v2, v16;
	v7 =	vor.u32 v35, v13;
	v13 =	vor.u32 v39, v14;
	v9 =	vld.idx.msk [tilespmem:v9+s12+$0x0], $0xffff  }
0x206: {  	s16 =	sadd.s32 $0xFFFFFF00, s13;
	s8 =	sshrl.u32 s8, $0x3;
	s1 =	smul.u32 $0x3000, s11;
	[tilespmem:s4+$0x30] =	vst v6;
	v15 =	vadd.s32 v43, v17;
	v12 =	vor.u32 v39, v12;
	v10 =	vld.idx.msk [tilespmem:v10+s12+$0x0], $0xffff  }
0x207: {  	s9 =	sshrl.u32 s9, $0x3;
	s10 =	sshrl.u32 s6, $0x3;
	s8 =	smul.u32 $0x3000, s8;
	v6 =	vadd.s32 v43, v61;
	v4 =	vld.idx.msk [tilespmem:v4+s12+$0x0], $0xffff;
	v18 =	vor.u32 v62, v22;
	v15 =	vor.u32 v8, v15  }
0x208: {  	s9 =	smul.u32 $0x3000, s9;
	s1 =	sshra.s32 s1, $0x2;
	s24 =	smov.u32 s3;
	v22 =	vadd.s32 v29, v0;
	v18 =	vor.u32 v26, v18;
	v21 =	vld.idx.msk [tilespmem:v58+s12+$0x0], $0xffff;
	v14 =	vor.u32 v41, v15  }
0x209: {  	s22 =	sand.u32 $0x200, s14;
	s28 =	smul.u32 $0x3000, s10;
	s17 =	sor.u32 s15, s1;
	v16 =	vadd.s32 v43, v0;
	v15 =	vadd.s32 v43, v1;
	[tilespmem:s24+$0x30] =	vst v5;
	v11 =	vld.idx.msk [tilespmem:v11+s12+$0x0], $0xffff  }
0x20a: {  	s23 =	sand.u32 $0x280, s16;
	s26 =	sshra.s32 s8, $0x2;
	s15 =	sadd.s32 $0x10180, s17;
	v5 =	vor.u32 v3, v6;
	v6 =	vor.u32 v2, v15;
	v13 =	vld.idx.msk [tilespmem:v13+s12+$0x0], $0xffff;
	[tilespmem:s0+$0x50] =	vst v9  }
0x20b: {  	s30 =	sshra.s32 s9, $0x2;
	s31 =	sshra.s32 s28, $0x2;
	s11 =	sadd.s32 $0xFFFFFF80, s13;
	v15 =	vor.u32 v62, v16;
	v5 =	vor.u32 v41, v5;
	v12 =	vld.idx.msk [tilespmem:v12+s12+$0x0], $0xffff;
	[tilespmem:s15+$0x40] =	vst v10  }
0x20c: {  	s26 =	sor.u32 s22, s26;
	s28 =	sor.u32 s23, s30;
	s30 =	sand.u32 $0x300, s11;
	v15 =	vor.u32 v41, v15;
	v10 =	vadd.s32 v37, v59;
	v59 =	vmov v17;
	v7 =	vld.idx.msk [tilespmem:v7+s12+$0x0], $0xffff  }
0x20d: {  	s14 =	sadd.s32 $0x10180, s26;
	s9 =	sor.u32 s30, s31;
	v6 =	vor.u32 v41, v6;
	v14 =	vld.idx.msk [tilespmem:v14+s12+$0x0], $0xffff;
	v17 =	vadd.s32 v27, v59;
	v10 =	vor.u32 v60, v10  }
0x20e: {  	s31 =	sadd.s32 $0x10180, s9;
	v22 =	vor.u32 v62, v22;
	v17 =	vor.u32 v8, v17;
	v10 =	vor.u32 v23, v10;
	[tilespmem:s14+$0x40] =	vst v11  }
0x20f: {  	s10 =	sadd.s32 $0x10180, s28;
	v58 =	vadd.s32 v44, v1;
	v16 =	vadd.s32 v27, v1;
	v17 =	vor.u32 v26, v17;
	[tilespmem:s31+$0x40] =	vst v13  }
0x210: {  	v9 =	vadd.s32 v27, v61;
	v60 =	vadd.s32 v29, v61;
	v5 =	vld.idx.msk [tilespmem:v5+s12+$0x0], $0xffff;
	[tilespmem:s10+$0x40] =	vst v12  }
0x211: {  	v16 =	vor.u32 v2, v16;
	v9 =	vor.u32 v3, v9;
	v15 =	vld.idx.msk [tilespmem:v15+s12+$0x0], $0xffff;
	[tilespmem:s0+$0x60] =	vst v7  }
0x212: {  	v16 =	vor.u32 v26, v16;
	v9 =	vor.u32 v26, v9;
	v6 =	vld.idx.msk [tilespmem:v6+s12+$0x0], $0xffff;
	[tilespmem:s15+$0x50] =	vst v14  }
0x213: {  	v19 =	vor.u32 v3, v60;
	v60 =	vmov v8;
	v14 =	vadd.s32 v29, v59;
	v10 =	vld.idx.msk [tilespmem:v10+s12+$0x0], $0xffff  }
0x214: {  	v23 =	vadd.s32 v32, v0;
	v11 =	vor.u32 v28, v20;
	v8 =	vld.idx.msk [tilespmem:v17+s12+$0x0], $0xffff;
	v14 =	vor.u32 v60, v14  }
0x215: {  	v12 =	vor.u32 v28, v22;
	v20 =	vld.idx.msk [tilespmem:v49+s12+$0x0], $0xffff;
	v13 =	vor.u32 v28, v14;
	[tilespmem:s14+$0x50] =	vst v5  }
0x216: {  	v49 =	vadd.s32 v44, v61;
	v7 =	vor.u32 v28, v19;
	v19 =	vor.u32 v62, v23;
	[tilespmem:s31+$0x50] =	vst v15  }
0x217: {  	v23 =	vadd.s32 v44, v0;
	v19 =	vor.u32 v30, v19;
	v5 =	vor.u32 v2, v58;
	[tilespmem:s10+$0x50] =	vst v6  }
0x218: {  	v6 =	vor.u32 v62, v23;
	v23 =	vor.u32 v42, v5;
	v5 =	vld.idx.msk [tilespmem:v18+s12+$0x0], $0xffff;
	[tilespmem:s0+$0x70] =	vst v10  }
0x219: {  	v17 =	vadd.s32 v32, v61;
	v16 =	vld.idx.msk [tilespmem:v16+s12+$0x0], $0xffff;
	[tilespmem:s15+$0x60] =	vst v8;
	v8 =	vadd.s32 v32, v59  }
0x21a: {  	v14 =	vor.u32 v3, v17;
	v17 =	vadd.s32 v32, v1;
	v13 =	vld.idx.msk [tilespmem:v13+s12+$0x0], $0xffff;
	v8 =	vor.u32 v60, v8  }
0x21b: {  	[tilespmem:s4+$0x40] =	vst v21;
	v10 =	vor.u32 v3, v49;
	v49 =	vld.idx.msk [tilespmem:v9+s12+$0x0], $0xffff;
	v15 =	vor.u32 v30, v8  }
0x21c: {  	v58 =	vadd.s32 v63, v61;
	v14 =	vor.u32 v30, v14;
	v17 =	vor.u32 v2, v17;
	[tilespmem:s25+$0x40] =	vst v4  }
0x21d: {  	v17 =	vor.u32 v30, v17;
	v18 =	vor.u32 v42, v6;
	[tilespmem:s31+$0x60] =	vst v5;
	v8 =	vadd.s32 v46, v61  }
0x21e: {  	v9 =	vadd.s32 v46, v0;
	[tilespmem:s10+$0x60] =	vst v16;
	v16 =	vadd.s32 v63, v0;
	v6 =	vor.u32 v3, v8  }
0x21f: {  	v8 =	vadd.s32 v46, v1;
	v11 =	vld.idx.msk [tilespmem:v11+s12+$0x0], $0xffff;
	v5 =	vor.u32 v62, v16;
	[tilespmem:s15+$0x70] =	vst v13  }
0x220: {  	v24 =	vor.u32 v45, v6;
	v6 =	vor.u32 v62, v9;
	[tilespmem:s14+$0x60] =	vst v49;
	v13 =	vld.idx.msk [tilespmem:v15+s12+$0x0], $0xffff  }
0x221: {  	v4 =	vor.u32 v2, v8;
	v8 =	vor.u32 v45, v6;
	v6 =	vadd.s32 v44, v59;
	v15 =	vld.idx.msk [tilespmem:v7+s12+$0x0], $0xffff  }
0x222: {  	v12 =	vld.idx.msk [tilespmem:v12+s12+$0x0], $0xffff;
	v9 =	vor.u32 v45, v4;
	v4 =	vadd.s32 v63, v1;
	v6 =	vor.u32 v60, v6  }
0x223: {  	[tilespmem:s24+$0x40] =	vst v20;
	v16 =	vadd.s32 v34, v61;
	v4 =	vor.u32 v2, v4;
	v49 =	vor.u32 v42, v6  }
0x224: {  	v22 =	vld.idx.msk [tilespmem:v48+s12+$0x0], $0xffff;
	v6 =	vor.u32 v47, v4;
	v4 =	vor.u32 v3, v16;
	v16 =	vadd.s32 v34, v1  }
0x225: {  	v7 =	vor.u32 v3, v58;
	v58 =	vadd.s32 v34, v0;
	v16 =	vor.u32 v2, v16;
	[tilespmem:s10+$0x70] =	vst v11  }
0x226: {  	v20 =	vor.u32 v62, v58;
	v58 =	vor.u32 v25, v16;
	v16 =	vld.idx.msk [tilespmem:v17+s12+$0x0], $0xffff;
	[tilespmem:s14+$0x70] =	vst v15  }
0x227: {  	[tilespmem:s17+$0x10580] =	vst v13;
	v14 =	vld.idx.msk [tilespmem:v14+s12+$0x0], $0xffff  }
0x228: {  	v10 =	vor.u32 v42, v10;
	[tilespmem:s31+$0x70] =	vst v12;
	v15 =	vadd.s32 v46, v59;
	v13 =	vld.idx.msk [tilespmem:v49+s12+$0x0], $0xffff  }
0x229: {  	v21 =	vadd.s32 v36, v0;
	v17 =	vld.idx.msk [tilespmem:v19+s12+$0x0], $0xffff;
	v11 =	vor.u32 v60, v15;
	v15 =	vadd.s32 v36, v61  }
0x22a: {  	v19 =	vld.idx.msk [tilespmem:v57+s12+$0x0], $0xffff;
	v11 =	vor.u32 v45, v11;
	v12 =	vor.u32 v3, v15;
	v15 =	vadd.s32 v36, v1  }
0x22b: {  	[tilespmem:s28+$0x10580] =	vst v16;
	v48 =	vor.u32 v33, v12;
	v12 =	vor.u32 v2, v15;
	v15 =	vor.u32 v62, v21  }
0x22c: {  	s0 =	sadd.s32 $0x10580, s17;
	v21 =	vld.idx.msk [tilespmem:v56+s12+$0x0], $0xffff;
	v56 =	vor.u32 v33, v15;
	v15 =	vadd.s32 v31, v1;
	[tilespmem:s26+$0x10580] =	vst v14  }
0x22d: {  	v5 =	vor.u32 v47, v5;
	[tilespmem:s0+$0x10] =	vst v13;
	v13 =	vor.u32 v2, v15;
	v15 =	vld.idx.msk [tilespmem:v10+s12+$0x0], $0xffff  }
0x22e: {  	v49 =	vor.u32 v25, v20;
	v20 =	vadd.s32 v31, v61;
	[tilespmem:s9+$0x10580] =	vst v17;
	v57 =	vor.u32 v33, v12  }
0x22f: {  	v12 =	vor.u32 v3, v20;
	v20 =	vadd.s32 v31, v0;
	v14 =	vadd.s32 v63, v59;
	v11 =	vld.idx.msk [tilespmem:v11+s12+$0x0], $0xffff  }
0x230: {  	v10 =	vor.u32 v62, v20;
	v14 =	vor.u32 v60, v14;
	v20 =	vld.idx.msk [tilespmem:v23+s12+$0x0], $0xffff;
	[tilespmem:s25+$0x50] =	vst v22  }
0x231: {  	s2 =	sadd.s32 $0x4, s2;
	s1 =	sadd.s32 $0x10580, s26;
	v14 =	vor.u32 v47, v14;
	v17 =	vor.u32 v35, v10;
	v10 =	vadd.s32 v37, v61;
	v61 =	vld.idx.msk [tilespmem:v55+s12+$0x0], $0xffff  }
0x232: {  	p0 =	slt.u32 s2, $0x34;
	v7 =	vor.u32 v47, v7;
	v4 =	vor.u32 v25, v4;
	v1 =	vadd.s32 v37, v1;
	[tilespmem:s1+$0x10] =	vst v15;
	v15 =	vld [tilespmem:$0x1FDE0]  }
.Ltmp1:
0x233: {  	v0 =	vadd.s32 v37, v0;
	v16 =	vor.u32 v35, v12;
	v12 =	vld.idx.msk [tilespmem:v18+s12+$0x0], $0xffff;
	[tilespmem:s4+$0x50] =	vst v19;
	(pc) =	sbr.rel @p0 .LBB2_5-.Ltmp1, $4  }
0x234: {  	v1 =	vor.u32 v2, v1;
	v55 =	vmov v16;
	[tilespmem:s24+$0x50] =	vst v21;
	v16 =	vor.u32 v3, v10;
	v3 =	vld.idx.msk [tilespmem:v54+s12+$0x0], $0xffff  }
0x235: {  	s5 =	sadd.s32 $0x10580, s28;
	v13 =	vor.u32 v35, v13;
	v10 =	vor.u32 v62, v0;
	v0 =	vld.idx.msk [tilespmem:v53+s12+$0x0], $0xffff;
	[tilespmem:s0+$0x20] =	vst v11  }
0x236: {  	v54 =	vmov v13;
	v53 =	vmov v17;
	[tilespmem:s5+$0x10] =	vst v20;
	v11 =	vld.idx.msk [tilespmem:v14+s12+$0x0], $0xffff;
	v14 =	vadd.s32 v34, v59  }
0x237: {  	s3 =	sadd.s32 $0x10580, s9;
	v13 =	vld.idx.msk [tilespmem:v24+s12+$0x0], $0xffff;
	v14 =	vor.u32 v60, v14;
	v2 =	vor.u32 v15, v16;
	v1 =	vor.u32 v15, v1  }
0x238: {  	_ =	sdelay $0x3  }
0x239: {  	v9 =	vld.idx.msk [tilespmem:v9+s12+$0x0], $0xffff;
	[tilespmem:s3+$0x10] =	vst v12  }
0x23a: {  	v8 =	vld.idx.msk [tilespmem:v8+s12+$0x0], $0xffff;
	_ =	sdelay $0x1  }
0x23b: {  	v12 =	vor.u32 v25, v14  }
0x23c: {  	[tilespmem:s1+$0x20] =	vst v13  }
0x23d: {  	v7 =	vld.idx.msk [tilespmem:v7+s12+$0x0], $0xffff;
	[tilespmem:s5+$0x20] =	vst v9  }
0x23e: {  	v6 =	vld.idx.msk [tilespmem:v6+s12+$0x0], $0xffff;
	[tilespmem:s3+$0x20] =	vst v8  }
0x23f: {  	v40 =	vadd.s32 v36, v59;
	[tilespmem:s0+$0x30] =	vst v11;
	v5 =	vld.idx.msk [tilespmem:v5+s12+$0x0], $0xffff  }
0x240: {  	v41 =	vld.idx.msk [tilespmem:v12+s12+$0x0], $0xffff;
	v8 =	vor.u32 v60, v40  }
0x241: {  	v42 =	vor.u32 v33, v8  }
0x242: {  	[tilespmem:s1+$0x30] =	vst v7  }
0x243: {  	[tilespmem:s5+$0x30] =	vst v6;
	v4 =	vld.idx.msk [tilespmem:v4+s12+$0x0], $0xffff  }
0x244: {  	[tilespmem:s3+$0x30] =	vst v5;
	v43 =	vld.idx.msk [tilespmem:v58+s12+$0x0], $0xffff  }
0x245: {  	v45 =	vadd.s32 v31, v59;
	[tilespmem:s0+$0x40] =	vst v41;
	v44 =	vld.idx.msk [tilespmem:v49+s12+$0x0], $0xffff  }
0x246: {  	[tilespmem:s25+$0x60] =	vst v61;
	v8 =	vor.u32 v60, v45;
	v7 =	vld.idx.msk [tilespmem:v42+s12+$0x0], $0xffff  }
0x247: {  	[tilespmem:s4+$0x60] =	vst v3;
	v46 =	vor.u32 v35, v8  }
0x248: {  	v62 =	vld.idx.msk [tilespmem:v51+s12+$0x0], $0xffff;
	[tilespmem:s1+$0x40] =	vst v4  }
0x249: {  	[tilespmem:s5+$0x40] =	vst v43;
	v47 =	vld.idx.msk [tilespmem:v48+s12+$0x0], $0xffff  }
0x24a: {  	[tilespmem:s3+$0x40] =	vst v44;
	v48 =	vld.idx.msk [tilespmem:v57+s12+$0x0], $0xffff  }
0x24b: {  	[tilespmem:s0+$0x50] =	vst v7;
	v57 =	vadd.s32 v37, v59;
	v49 =	vld.idx.msk [tilespmem:v56+s12+$0x0], $0xffff  }
0x24c: {  	[tilespmem:s24+$0x60] =	vst v0;
	v4 =	vld.idx.msk [tilespmem:v46+s12+$0x0], $0xffff;
	v7 =	vor.u32 v60, v57  }
0x24d: {  	v63 =	vld.idx.msk [tilespmem:v50+s12+$0x0], $0xffff;
	[tilespmem:s4+$0x70] =	vst v62;
	v58 =	vor.u32 v15, v7  }
0x24e: {  	v56 =	vld.idx.msk [tilespmem:v52+s12+$0x0], $0xffff;
	[tilespmem:s1+$0x50] =	vst v47  }
0x24f: {  	v59 =	vld.idx.msk [tilespmem:v55+s12+$0x0], $0xffff;
	[tilespmem:s5+$0x50] =	vst v48  }
0x250: {  	v6 =	vld.idx.msk [tilespmem:v54+s12+$0x0], $0xffff;
	[tilespmem:s3+$0x50] =	vst v49  }
0x251: {  	[tilespmem:s0+$0x60] =	vst v4;
	v60 =	vld.idx.msk [tilespmem:v53+s12+$0x0], $0xffff  }
0x252: {  	v61 =	vor.u32 v15, v10;
	[tilespmem:s24+$0x70] =	vst v63;
	v4 =	vld.idx.msk [tilespmem:v58+s12+$0x0], $0xffff  }
0x253: {  	[tilespmem:s25+$0x70] =	vst v56  }
0x254: {  	[tilespmem:s1+$0x60] =	vst v59  }
0x255: {  	v2 =	vld.idx.msk [tilespmem:v2+s12+$0x0], $0xffff;
	[tilespmem:s5+$0x60] =	vst v6  }
0x256: {  	v1 =	vld.idx.msk [tilespmem:v1+s12+$0x0], $0xffff;
	[tilespmem:s3+$0x60] =	vst v60  }
0x257: {  	v0 =	vld.idx.msk [tilespmem:v61+s12+$0x0], $0xffff;
	s2 =	rddreg [dreg:$0xb];
	[tilespmem:s0+$0x70] =	vst v4  }
0x258: {  	s2 =	sshrl.u32 s2, $0x3;
	s26 =	rddreg [dreg:$0xa]  }
0x259: {  	s25 =	smul.u32 $0x3000, s2;
	s2 =	sshrl.u32 s26, $0x3  }
0x25a: {  	p0 =	sgt.u32 s20, $0x34;
	s30 =	rddreg [dreg:$0x2];
	[tilespmem:s1+$0x70] =	vst v2;
	s28 =	smul.u32 $0x180, s2  }
0x25b: {  	s31 =	simm.s32 $0x0;
	s2 =	sadd.s32 @!p0 $0x3, s20;
	[tilespmem:s5+$0x70] =	vst v1;
	s0 =	sshrl.u32 s25, $0x2  }
0x25c: {  	[tilespmem:s3+$0x70] =	vst v0;
	s0 =	sadd.s32 $0xFD80, s0;
	s1 =	sadd.s32 s30, s28;
	s3 =	smul.u32 @!p0 $0xAB, s2  }
0x25d: {  	[hbm4b:s1+s31] =	stream.linear.scatter [tilespmem:s0], [sflag:$0x2], $0x5400, $0x38;
	[tilespmem:$0x1F980] =	vst v63  }
0x25e: {  	v15 =	vld [tilespmem:$0x1FDF0];
	s0 =	sshrl.u32 @!p0 s3, $0x9  }
0x25f: {  	v16 =	vld [tilespmem:$0x1FE00];
	s0 =	sand.u32 @!p0 $0x7F, s0  }
0x260: {  	v17 =	vld [tilespmem:$0x1FE10];
	s0 =	smul.u32 @!p0 $0x3, s0  }
0x261: {  	s1 =	smul.u32 @!p0 $0x38, s2;
	v18 =	vld [tilespmem:$0x1FE20]  }
0x262: {  	s6 =	rddreg [dreg:$0x4];
	v19 =	vld [tilespmem:$0x1FE30];
	s0 =	ssub.s32 @!p0 s2, s0  }
0x263: {  	v20 =	vld [tilespmem:$0x1FE40];
	s1 =	sadd.s32 @!p0 s6, s1;
	s0 =	sand.u32 @!p0 $0xFF, s0  }
0x264: {  	v21 =	vld [tilespmem:$0x1FE50];
	s1 =	sshrl.u32 @!p0 s1, $0x3;
	s0 =	smul.u32 @!p0 $0x15000, s0  }
0x265: {  	v22 =	vld [tilespmem:$0x1FE60];
	s1 =	smul.u32 @!p0 $0x180, s1  }
0x266: {  	s20 =	sadd.s32 $0x1, s20;
	v23 =	vld [tilespmem:$0x1FE70];
	s2 =	rddreg [dreg:$0x0];
	s0 =	sshrl.u32 @!p0 s0, $0x2  }
0x267: {  	v24 =	vld [tilespmem:$0x1FE80];
	s1 =	sadd.s32 @!p0 s2, s1;
	s2 =	simm.s32 @!p0 $0x0;
	s0 =	sor.u32 @!p0 $0x180, s0  }
0x268: {  	v25 =	vld [tilespmem:$0x1FE90];
	[tilespmem:s0], [sflag:$0x1] =	stream.linear.gather @!p0 [hbm4b:s1+s2], $0x5400, $0x38  }
0x269: {  	v26 =	vld [tilespmem:$0x1FEA0];
	p0 =	sne.s32 s20, $0x38  }
.Ltmp2:
0x26a: {  	v27 =	vld [tilespmem:$0x1FEB0];
	(pc) =	sbr.rel @p0 .LBB2_2-.Ltmp2, $4  }
0x26b: {  	v28 =	vld [tilespmem:$0x1FEC0]  }
0x26c: {  	v29 =	vld [tilespmem:$0x1FED0]  }
0x26d: {  	v30 =	vld [tilespmem:$0x1FEE0]  }
0x26e: {  	s19 =	sadd.s32 $0x38, s19;
	s18 =	sadd.s32 $0x1, s18;
	v32 =	vld [tilespmem:$0x1FEF0]  }
0x26f: {  	s1 =	simm.s32 $0x2  }
0x270: {  	_ =	swait.ge [sflag:s1], $0x5400  }
0x271: {  	[sflag:s1] =	ssyncset.done $0x0  }
0x272: {  	[sflag:s1] =	ssyncadd.s32 $0xFFFFAC00  }
0x273: {  	_ =	swait.ge [sflag:s1], $0x5400  }
0x274: {  	[sflag:s1] =	ssyncset.done $0x0  }
0x275: {  	[sflag:s1] =	ssyncadd.s32 $0xFFFFAC00  }
0x276: {  	_ =	swait.ge [sflag:s1], $0x5400  }
0x277: {  	s2 =	rddreg [dreg:$0x9]  }
0x278: {  	s0 =	rddreg [dreg:$0x8];
	s2 =	sadd.s32 $0x1, s2  }
0x279: {  	p0 =	sne.s32 s2, s0  }
.Ltmp3:
0x27a: {  	_ = 	snop;
	(pc) =	sbr.rel @p0 .LBB2_1-.Ltmp3, $3  }
0x27b: {  	_ =	sdelay $0x1  }
0x27c: {  	[sflag:s1] =	ssyncset.done $0x0  }
0x27d: {  	[sflag:s1] =	ssyncadd.s32 $0xFFFFAC00  }
0x27e: {  	_ =	sfence.sel $0x180000  }
0x27f: {  	[bflag:$0x0] =	sbarrier.arrive $0xFFFF  }
0x280: {  	_ =	strace $0x90000047  }
0x281: {  	s0 =	stileid.u32;
	[bflag:$0x2] =	sbarrier.arrive $0xFFFF  }
0x282: {  	p0 =	sne.s32 s0, $0x0;
	s0 =	rddreg [dreg:$0x3]  }
0x283: {  	s0 =	sadd.s32 @!p0 $0x100000, s0  }
0x284: {  	[sflag:s0] =	ssyncadd.tile.s32 @!p0 $0x1;
	_ =	shalt  }
.Lfunc_end2:
_tile_overlayer_lowered:
.L_overlay_start_2:
0x285: {  	(tag) =	ssettag $0x2  }
0x286: {  	s0 =	rddreg [dreg:$0x0];
	s2 =	stileid.u32  }
0x287: {  	s1 =	rddreg [dreg:$0x1];
	p0 =	sne.s32 s2, $0x0  }
0x288: {  	s3 =	rddreg [dreg:$0x2];
	[bflag:$0x3] =	sbarrier.arrive $0xFFFF;
	s2 =	simm.s32 @!p0 $0x1C03  }
0x289: {  	[timem:s3], [sflag:s2] =	dma.local @!p0 [hbm:s0], s1  }
0x28a: {  	s0 =	simm.s32 @!p0 $0x3  }
0x28b: {  	_ =	swait.ge @!p0 [sflag:s0], s1  }
0x28c: {  	s1 =	ssub.s32 @!p0 $0x0, s1;
	[sflag:s0] =	ssyncset.done @!p0 $0x0  }
0x28d: {  	[sflag:s0] =	ssyncadd.s32 @!p0 s1  }
0x28e: {  	[bflag:$0x3] =	sbarrier.arrive $0xFFFF  }
0x28f: {  	_ =	shalt  }

</sc_bundles>
